<compile_context>
chip_gen: v7x
topology: tpu7x:2x2x1
jax: 0.10.2.dev20260603
libtpu: 0.0.44.dev20260713+nightly
codegen_flags: <defaults>
</compile_context>

<pallas_src>
import dataclasses
import functools

import jax
import jax.numpy as jnp
from jax import lax
from jax.experimental import pallas as pl
from jax.experimental.pallas import tpu as pltpu
from jax.experimental.pallas import tpu_sc as plsc

N_NODES = 10000
N_EDGES = 320000
D = 128
DW = D // 2

N_TILES = 32
EDGES_PAD = 327680
EDGES_PER_TILE = EDGES_PAD // N_TILES
CHUNK = 320
N_CHUNKS = EDGES_PER_TILE // CHUNK
IDX_ROWS = CHUNK // 128
IDX_ROWS_TILE = EDGES_PER_TILE // 128


def _normalize_body(x_ref, o_ref):
    xb = x_ref[...]
    ss = jnp.sum(xb * xb, axis=1, keepdims=True)
    norm = jnp.maximum(jnp.sqrt(ss), 1e-12)
    o_ref[...] = xb / norm


def _normalize(x):
    return pl.pallas_call(
        _normalize_body,
        out_shape=jax.ShapeDtypeStruct((N_NODES, D), jnp.float32),
        grid=(10,),
        in_specs=[pl.BlockSpec((N_NODES // 10, D), lambda i: (i, 0))],
        out_specs=pl.BlockSpec((N_NODES // 10, D), lambda i: (i, 0)),
    )(x)


def _sc_cosine(norm_h, src2d, dst2d):
    mesh = plsc.VectorSubcoreMesh(core_axis_name="c", subcore_axis_name="s")
    cp = pltpu.CompilerParams()
    if "needs_layout_passes" in pltpu.CompilerParams.__dataclass_fields__:
        cp = dataclasses.replace(cp, needs_layout_passes=False)
    cp = dataclasses.replace(cp, use_tc_tiling_on_sc=False)

    @functools.partial(
        pl.kernel,
        mesh=mesh,
        compiler_params=cp,
        out_type=jax.ShapeDtypeStruct((EDGES_PAD,), jnp.float32),
        scratch_types=[
            pltpu.VMEM((EDGES_PER_TILE,), jnp.int32),
            pltpu.VMEM((EDGES_PER_TILE,), jnp.int32),
            pltpu.VMEM((CHUNK, DW), jnp.int32),
            pltpu.VMEM((CHUNK, DW), jnp.int32),
            pltpu.VMEM((CHUNK, DW), jnp.int32),
            pltpu.VMEM((CHUNK, DW), jnp.int32),
            pltpu.VMEM((EDGES_PER_TILE,), jnp.float32),
            pltpu.SemaphoreType.DMA,
            pltpu.SemaphoreType.DMA,
        ],
    )
    def sc_kernel(h_hbm, src_hbm, dst_hbm, out_hbm,
                  sidx, didx, u0, v0, u1, v1, res, sem0, sem1):
        wid = lax.axis_index("s") * 2 + lax.axis_index("c")
        e0 = wid * EDGES_PER_TILE
        bufs = ((u0, v0, sem0), (u1, v1, sem1))

        pltpu.sync_copy(src_hbm.at[pl.ds(e0, EDGES_PER_TILE)], sidx)
        pltpu.sync_copy(dst_hbm.at[pl.ds(e0, EDGES_PER_TILE)], didx)

        def issue(c, buf):
            ub, vb, sem = buf
            pltpu.async_copy(h_hbm.at[sidx.at[pl.ds(c * CHUNK, CHUNK)]],
                             ub, sem)
            pltpu.async_copy(h_hbm.at[didx.at[pl.ds(c * CHUNK, CHUNK)]],
                             vb, sem)

        def drain(buf):
            ub, vb, sem = buf
            pltpu.make_async_copy(h_hbm.at[sidx.at[pl.ds(0, CHUNK)]],
                                  ub, sem).wait()
            pltpu.make_async_copy(h_hbm.at[didx.at[pl.ds(0, CHUNK)]],
                                  vb, sem).wait()

        def compute(c, buf):
            ub, vb, _ = buf

            @pl.loop(0, CHUNK // 64)
            def _block(b):
                lanes = lax.iota(jnp.int32, 16)
                rows = [b * 64 + t * 16 + lanes for t in range(4)]

                def jstep(jj, accs):
                    accs = list(accs)
                    j0 = jj * 2
                    jv0 = (j0 + lanes) & (DW - 1)
                    jv1 = (j0 + 1 + lanes) & (DW - 1)
                    for t in range(4):
                        uu0 = plsc.load_gather(ub, [rows[t], jv0])
                        vv0 = plsc.load_gather(vb, [rows[t], jv0])
                        uu1 = plsc.load_gather(ub, [rows[t], jv1])
                        vv1 = plsc.load_gather(vb, [rows[t], jv1])
                        p = (plsc.bitcast(uu0, jnp.bfloat16)
                             * plsc.bitcast(vv0, jnp.bfloat16)
                             + plsc.bitcast(uu1, jnp.bfloat16)
                             * plsc.bitcast(vv1, jnp.bfloat16))
                        pe, po = plsc.unpack(
                            p, format=plsc.PackFormat.INTERLEAVED)
                        accs[t] = accs[t] + pe + po
                    return tuple(accs)

                accs = lax.fori_loop(
                    0, DW // 2, jstep,
                    tuple(jnp.zeros((16,), jnp.float32) for _ in range(4)))
                for t in range(4):
                    res[pl.ds(c * CHUNK + b * 64 + t * 16, 16)] = accs[t]

        issue(0, bufs[0])

        @pl.loop(0, N_CHUNKS, step=2)
        def _pair(c):
            issue(c + 1, bufs[1])
            drain(bufs[0])
            compute(c, bufs[0])

            @pl.when(c + 2 < N_CHUNKS)
            def _():
                issue(c + 2, bufs[0])

            drain(bufs[1])
            compute(c + 1, bufs[1])

        pltpu.sync_copy(res, out_hbm.at[pl.ds(wid * EDGES_PER_TILE,
                                              EDGES_PER_TILE)])

    return sc_kernel(norm_h, src2d, dst2d)


def kernel(x, edge_index):
    norm_h = _normalize(x.astype(jnp.float32))
    norm_h = lax.bitcast_convert_type(
        norm_h.astype(jnp.bfloat16).reshape(N_NODES, DW, 2), jnp.int32)
    ei = edge_index.astype(jnp.int32)
    pad = EDGES_PAD - N_EDGES
    src = jnp.concatenate([ei[0], jnp.zeros((pad,), jnp.int32)])
    dst = jnp.concatenate([ei[1], jnp.zeros((pad,), jnp.int32)])
    cos = _sc_cosine(norm_h, src, dst)
    return cos[:N_EDGES].reshape(N_EDGES, 1)

# --- scband reference (transcript-rebuilt; emitter-appended) ---
"""Pipeline reference for scband-cosine-prediction-58411555226157 (READ-ONLY COPY).

The authoritative reference and input builder live on the scoring server;
editing this copy changes nothing except your own understanding.
"""

import jax, jax.numpy as jnp
import numpy as np


def setup_inputs(seed: int = 0) -> dict:
    key = jax.random.key(seed)
    k1, k2 = jax.random.split(key)
    x = jax.random.normal(k1, (10000, 128), dtype=jnp.float32)
    edge_index = jax.random.randint(k2, (2, 320000), 0, 10000, dtype=jnp.int64)
    return {"x": x, "edge_index": edge_index}


def reference(x, edge_index):
    # F.normalize(x) with default p=2, dim=1, eps=1e-12:
    # x / max(||x||_2, eps)
    norm = jnp.linalg.norm(x, ord=2, axis=1, keepdims=True)
    norm_h = x / jnp.maximum(norm, 1e-12)
    src = edge_index[0]
    dst = edge_index[1]
    # u_dot_v: per-edge dot product of normalized src and dst features (gather + reduce)
    h_u = jnp.take(norm_h, src, axis=0)
    h_v = jnp.take(norm_h, dst, axis=0)
    cos = jnp.sum(h_u * h_v, axis=1, keepdims=True)
    return cos

if __name__ == "__main__":
    import jax
    _d = setup_inputs()
    print(jax.jit(kernel)(*tuple(_d.values())))

</pallas_src>

<mosaic_0001>
#map = affine_map<(d0, d1) -> (0, 0)>
#map1 = affine_map<(d0, d1) -> (0)>
module attributes {stable_mosaic.version = 14 : i64} {
  func.func @sc_kernel(%arg0: i32, %arg1: i32, %arg2: memref<10000x64xi32, #tpu.memory_space<hbm>>, %arg3: memref<327680xi32, #tpu.memory_space<hbm>>, %arg4: memref<327680xi32, #tpu.memory_space<hbm>>, %arg5: memref<327680xf32, #tpu.memory_space<hbm>>, %arg6: memref<10240xi32, #tpu.memory_space<vmem>>, %arg7: memref<10240xi32, #tpu.memory_space<vmem>>, %arg8: memref<320x64xi32, #tpu.memory_space<vmem>>, %arg9: memref<320x64xi32, #tpu.memory_space<vmem>>, %arg10: memref<320x64xi32, #tpu.memory_space<vmem>>, %arg11: memref<320x64xi32, #tpu.memory_space<vmem>>, %arg12: memref<10240xf32, #tpu.memory_space<vmem>>, %arg13: memref<!tpu.dma_semaphore, #tpu.memory_space<semaphore_mem>>, %arg14: memref<!tpu.dma_semaphore, #tpu.memory_space<semaphore_mem>>) attributes {dimension_semantics = [#tpu.dimension_semantics<core_parallel>, #tpu.dimension_semantics<subcore_parallel>], iteration_bounds = array<i64: 2, 16>, scalar_prefetch = 0 : i64, scratch_operands = 9 : i64, tpu.core_type = #tpu.core_type<sc_vector_subcore>, window_params = [{transform_indices = #map}, {transform_indices = #map1}, {transform_indices = #map1}, {transform_indices = #map1}]} {
    %mul3A = arith.constant 2 : i32
    %mul3A_0 = arith.muli %arg1, %mul3A : i32
    %add3A = arith.addi %mul3A_0, %arg0 : i32
    %mul3A_1 = arith.constant 10240 : i32
    %mul3A_2 = arith.muli %add3A, %mul3A_1 : i32
    "tpu.region"() ({
      %run_scoped3A = tpu.sem_alloc : memref<!tpu.dma_semaphore, #tpu.memory_space<semaphore_mem>>
      %dma_start3A_18 = tpu.memref_slice %arg3[%mul3A_2] : memref<327680xi32, #tpu.memory_space<hbm>> -> memref<10240xi32, #tpu.memory_space<hbm>>
      %dma_start3A_19 = tpu.memref_slice %arg3[%mul3A_2] : memref<327680xi32, #tpu.memory_space<hbm>> -> memref<10240xi32, #tpu.memory_space<hbm>>
      tpu.enqueue_dma source(%dma_start3A_19 : memref<10240xi32, #tpu.memory_space<hbm>>) target(%arg6 : memref<10240xi32, #tpu.memory_space<vmem>>) target_semaphore(%run_scoped3A : memref<!tpu.dma_semaphore, #tpu.memory_space<semaphore_mem>>)
      %dma_wait3A = tpu.memref_slice %arg3[%mul3A_2] : memref<327680xi32, #tpu.memory_space<hbm>> -> memref<10240xi32, #tpu.memory_space<hbm>>
      %dma_wait3A_20 = tpu.memref_slice %arg3[%mul3A_2] : memref<327680xi32, #tpu.memory_space<hbm>> -> memref<10240xi32, #tpu.memory_space<hbm>>
      tpu.wait_dma2 semaphore(%run_scoped3A : memref<!tpu.dma_semaphore, #tpu.memory_space<semaphore_mem>>) src(%dma_wait3A_20 : memref<10240xi32, #tpu.memory_space<hbm>>) dst(%arg6 : memref<10240xi32, #tpu.memory_space<vmem>>)
      tpu.yield
    }) : () -> ()
    "tpu.region"() ({
      %run_scoped3A = tpu.sem_alloc : memref<!tpu.dma_semaphore, #tpu.memory_space<semaphore_mem>>
      %dma_start3A_18 = tpu.memref_slice %arg4[%mul3A_2] : memref<327680xi32, #tpu.memory_space<hbm>> -> memref<10240xi32, #tpu.memory_space<hbm>>
      %dma_start3A_19 = tpu.memref_slice %arg4[%mul3A_2] : memref<327680xi32, #tpu.memory_space<hbm>> -> memref<10240xi32, #tpu.memory_space<hbm>>
      tpu.enqueue_dma source(%dma_start3A_19 : memref<10240xi32, #tpu.memory_space<hbm>>) target(%arg7 : memref<10240xi32, #tpu.memory_space<vmem>>) target_semaphore(%run_scoped3A : memref<!tpu.dma_semaphore, #tpu.memory_space<semaphore_mem>>)
      %dma_wait3A = tpu.memref_slice %arg4[%mul3A_2] : memref<327680xi32, #tpu.memory_space<hbm>> -> memref<10240xi32, #tpu.memory_space<hbm>>
      %dma_wait3A_20 = tpu.memref_slice %arg4[%mul3A_2] : memref<327680xi32, #tpu.memory_space<hbm>> -> memref<10240xi32, #tpu.memory_space<hbm>>
      tpu.wait_dma2 semaphore(%run_scoped3A : memref<!tpu.dma_semaphore, #tpu.memory_space<semaphore_mem>>) src(%dma_wait3A_20 : memref<10240xi32, #tpu.memory_space<hbm>>) dst(%arg7 : memref<10240xi32, #tpu.memory_space<vmem>>)
      tpu.yield
    }) : () -> ()
    %dma_start3A = arith.constant 0 : i32
    %dma_start3A_3 = tpu.memref_slice %arg6[%dma_start3A] : memref<10240xi32, #tpu.memory_space<vmem>> -> memref<320xi32, #tpu.memory_space<vmem>>
    %dma_start3A_4 = arith.constant 0 : i32
    %dma_start3A_5 = arith.constant 0 : i32
    %dma_start3A_6 = tpu.memref_slice %arg2[%dma_start3A_4, %dma_start3A_5] : memref<10000x64xi32, #tpu.memory_space<hbm>> -> memref<10000x64xi32, #tpu.memory_space<hbm>>
    tpu.enqueue_indirect_dma source(%dma_start3A_6 : memref<10000x64xi32, #tpu.memory_space<hbm>>) target(%arg8 : memref<320x64xi32, #tpu.memory_space<vmem>>) offsets(%dma_start3A_3 : memref<320xi32, #tpu.memory_space<vmem>>) semaphore(%arg13 : memref<!tpu.dma_semaphore, #tpu.memory_space<semaphore_mem>>)
    %dma_start3A_7 = arith.constant 0 : i32
    %dma_start3A_8 = tpu.memref_slice %arg7[%dma_start3A_7] : memref<10240xi32, #tpu.memory_space<vmem>> -> memref<320xi32, #tpu.memory_space<vmem>>
    %dma_start3A_9 = arith.constant 0 : i32
    %dma_start3A_10 = arith.constant 0 : i32
    %dma_start3A_11 = tpu.memref_slice %arg2[%dma_start3A_9, %dma_start3A_10] : memref<10000x64xi32, #tpu.memory_space<hbm>> -> memref<10000x64xi32, #tpu.memory_space<hbm>>
    tpu.enqueue_indirect_dma source(%dma_start3A_11 : memref<10000x64xi32, #tpu.memory_space<hbm>>) target(%arg9 : memref<320x64xi32, #tpu.memory_space<vmem>>) offsets(%dma_start3A_8 : memref<320xi32, #tpu.memory_space<vmem>>) semaphore(%arg13 : memref<!tpu.dma_semaphore, #tpu.memory_space<semaphore_mem>>)
    %scan3A = arith.constant 0 : i32
    %scan3A_12 = arith.constant 16 : i32
    %scan3A_13 = arith.addi %scan3A, %scan3A_12 : i32
    %scan3A_14 = arith.constant 1 : i32
    scf.for %scan3A_18 = %scan3A to %scan3A_13 step %scan3A_14  : i32 {
      %mul3A_19 = arith.constant 2 : i32
      %mul3A_20 = arith.muli %scan3A_18, %mul3A_19 : i32
      %add3A_21 = arith.constant 0 : i32
      %add3A_22 = arith.addi %add3A_21, %mul3A_20 : i32
      %add3A_23 = arith.constant 1 : i32
      %add3A_24 = arith.addi %add3A_22, %add3A_23 : i32
      %mul3A_25 = arith.constant 320 : i32
      %mul3A_26 = arith.muli %add3A_24, %mul3A_25 : i32
      %dma_start3A_27 = tpu.memref_slice %arg6[%mul3A_26] : memref<10240xi32, #tpu.memory_space<vmem>> -> memref<320xi32, #tpu.memory_space<vmem>>
      %dma_start3A_28 = arith.constant 0 : i32
      %dma_start3A_29 = arith.constant 0 : i32
      %dma_start3A_30 = tpu.memref_slice %arg2[%dma_start3A_28, %dma_start3A_29] : memref<10000x64xi32, #tpu.memory_space<hbm>> -> memref<10000x64xi32, #tpu.memory_space<hbm>>
      tpu.enqueue_indirect_dma source(%dma_start3A_30 : memref<10000x64xi32, #tpu.memory_space<hbm>>) target(%arg10 : memref<320x64xi32, #tpu.memory_space<vmem>>) offsets(%dma_start3A_27 : memref<320xi32, #tpu.memory_space<vmem>>) semaphore(%arg14 : memref<!tpu.dma_semaphore, #tpu.memory_space<semaphore_mem>>)
      %mul3A_31 = arith.constant 320 : i32
      %mul3A_32 = arith.muli %add3A_24, %mul3A_31 : i32
      %dma_start3A_33 = tpu.memref_slice %arg7[%mul3A_32] : memref<10240xi32, #tpu.memory_space<vmem>> -> memref<320xi32, #tpu.memory_space<vmem>>
      %dma_start3A_34 = arith.constant 0 : i32
      %dma_start3A_35 = arith.constant 0 : i32
      %dma_start3A_36 = tpu.memref_slice %arg2[%dma_start3A_34, %dma_start3A_35] : memref<10000x64xi32, #tpu.memory_space<hbm>> -> memref<10000x64xi32, #tpu.memory_space<hbm>>
      tpu.enqueue_indirect_dma source(%dma_start3A_36 : memref<10000x64xi32, #tpu.memory_space<hbm>>) target(%arg11 : memref<320x64xi32, #tpu.memory_space<vmem>>) offsets(%dma_start3A_33 : memref<320xi32, #tpu.memory_space<vmem>>) semaphore(%arg14 : memref<!tpu.dma_semaphore, #tpu.memory_space<semaphore_mem>>)
      %dma_wait3A = arith.constant 0 : i32
      %dma_wait3A_37 = tpu.memref_slice %arg6[%dma_wait3A] : memref<10240xi32, #tpu.memory_space<vmem>> -> memref<320xi32, #tpu.memory_space<vmem>>
      %dma_wait3A_38 = arith.constant 0 : i32
      %dma_wait3A_39 = arith.constant 0 : i32
      %dma_wait3A_40 = tpu.memref_slice %arg2[%dma_wait3A_38, %dma_wait3A_39] : memref<10000x64xi32, #tpu.memory_space<hbm>> -> memref<10000x64xi32, #tpu.memory_space<hbm>>
      tpu.wait_indirect_dma semaphore(%arg13 : memref<!tpu.dma_semaphore, #tpu.memory_space<semaphore_mem>>) src(%dma_wait3A_40 : memref<10000x64xi32, #tpu.memory_space<hbm>>) dst(%arg8 : memref<320x64xi32, #tpu.memory_space<vmem>>)
      %dma_wait3A_41 = arith.constant 0 : i32
      %dma_wait3A_42 = tpu.memref_slice %arg7[%dma_wait3A_41] : memref<10240xi32, #tpu.memory_space<vmem>> -> memref<320xi32, #tpu.memory_space<vmem>>
      %dma_wait3A_43 = arith.constant 0 : i32
      %dma_wait3A_44 = arith.constant 0 : i32
      %dma_wait3A_45 = tpu.memref_slice %arg2[%dma_wait3A_43, %dma_wait3A_44] : memref<10000x64xi32, #tpu.memory_space<hbm>> -> memref<10000x64xi32, #tpu.memory_space<hbm>>
      tpu.wait_indirect_dma semaphore(%arg13 : memref<!tpu.dma_semaphore, #tpu.memory_space<semaphore_mem>>) src(%dma_wait3A_45 : memref<10000x64xi32, #tpu.memory_space<hbm>>) dst(%arg9 : memref<320x64xi32, #tpu.memory_space<vmem>>)
      %scan3A_46 = arith.constant 0 : i32
      %scan3A_47 = arith.constant 5 : i32
      %scan3A_48 = arith.addi %scan3A_46, %scan3A_47 : i32
      %scan3A_49 = arith.constant 1 : i32
      scf.for %scan3A_72 = %scan3A_46 to %scan3A_48 step %scan3A_49  : i32 {
        %mul3A_73 = arith.constant 1 : i32
        %mul3A_74 = arith.muli %scan3A_72, %mul3A_73 : i32
        %add3A_75 = arith.constant 0 : i32
        %add3A_76 = arith.addi %add3A_75, %mul3A_74 : i32
        %iota3A = tpu.iota {dimensions = array<i32: 0>} : vector<16xi32>
        %mul3A_77 = arith.constant 64 : i32
        %mul3A_78 = arith.muli %add3A_76, %mul3A_77 : i32
        %add3A_79 = arith.constant 0 : i32
        %add3A_80 = arith.addi %mul3A_78, %add3A_79 : i32
        %add3A_81 = vector.broadcast %add3A_80 : i32 to vector<16xi32>
        %add3A_82 = arith.addi %add3A_81, %iota3A : vector<16xi32>
        %mul3A_83 = arith.constant 64 : i32
        %mul3A_84 = arith.muli %add3A_76, %mul3A_83 : i32
        %add3A_85 = arith.constant 16 : i32
        %add3A_86 = arith.addi %mul3A_84, %add3A_85 : i32
        %add3A_87 = vector.broadcast %add3A_86 : i32 to vector<16xi32>
        %add3A_88 = arith.addi %add3A_87, %iota3A : vector<16xi32>
        %mul3A_89 = arith.constant 64 : i32
        %mul3A_90 = arith.muli %add3A_76, %mul3A_89 : i32
        %add3A_91 = arith.constant 32 : i32
        %add3A_92 = arith.addi %mul3A_90, %add3A_91 : i32
        %add3A_93 = vector.broadcast %add3A_92 : i32 to vector<16xi32>
        %add3A_94 = arith.addi %add3A_93, %iota3A : vector<16xi32>
        %mul3A_95 = arith.constant 64 : i32
        %mul3A_96 = arith.muli %add3A_76, %mul3A_95 : i32
        %add3A_97 = arith.constant 48 : i32
        %add3A_98 = arith.addi %mul3A_96, %add3A_97 : i32
        %add3A_99 = vector.broadcast %add3A_98 : i32 to vector<16xi32>
        %add3A_100 = arith.addi %add3A_99, %iota3A : vector<16xi32>
        %broadcast_in_dim3A = arith.constant 0.000000e+00 : f32
        %broadcast_in_dim3A_101 = vector.broadcast %broadcast_in_dim3A : f32 to vector<16xf32>
        %broadcast_in_dim3A_102 = arith.constant 0.000000e+00 : f32
        %broadcast_in_dim3A_103 = vector.broadcast %broadcast_in_dim3A_102 : f32 to vector<16xf32>
        %broadcast_in_dim3A_104 = arith.constant 0.000000e+00 : f32
        %broadcast_in_dim3A_105 = vector.broadcast %broadcast_in_dim3A_104 : f32 to vector<16xf32>
        %broadcast_in_dim3A_106 = arith.constant 0.000000e+00 : f32
        %broadcast_in_dim3A_107 = vector.broadcast %broadcast_in_dim3A_106 : f32 to vector<16xf32>
        %scan3A_108 = arith.constant 0 : i32
        %scan3A_109 = arith.constant 32 : i32
        %scan3A_110 = arith.addi %scan3A_108, %scan3A_109 : i32
        %scan3A_111 = arith.constant 1 : i32
        %scan3A_112:4 = scf.for %scan3A_149 = %scan3A_108 to %scan3A_110 step %scan3A_111 iter_args(%scan3A_150 = %broadcast_in_dim3A_101, %scan3A_151 = %broadcast_in_dim3A_103, %scan3A_152 = %broadcast_in_dim3A_105, %scan3A_153 = %broadcast_in_dim3A_107) -> (vector<16xf32>, vector<16xf32>, vector<16xf32>, vector<16xf32>)  : i32 {
          %mul3A_154 = arith.constant 2 : i32
          %mul3A_155 = arith.muli %scan3A_149, %mul3A_154 : i32
          %add3A_156 = vector.broadcast %mul3A_155 : i32 to vector<16xi32>
          %add3A_157 = arith.addi %add3A_156, %iota3A : vector<16xi32>
          %and3A = arith.constant 63 : i32
          %and3A_158 = vector.broadcast %and3A : i32 to vector<16xi32>
          %and3A_159 = arith.andi %add3A_157, %and3A_158 : vector<16xi32>
          %add3A_160 = arith.constant 1 : i32
          %add3A_161 = arith.addi %mul3A_155, %add3A_160 : i32
          %add3A_162 = vector.broadcast %add3A_161 : i32 to vector<16xi32>
          %add3A_163 = arith.addi %add3A_162, %iota3A : vector<16xi32>
          %and3A_164 = arith.constant 63 : i32
          %and3A_165 = vector.broadcast %and3A_164 : i32 to vector<16xi32>
          %and3A_166 = arith.andi %add3A_163, %and3A_165 : vector<16xi32>
          %gather3A = tpu.vector_load_idx %arg8[%add3A_82, %and3A_159] : memref<320x64xi32, #tpu.memory_space<vmem>>[vector<16xi32>, vector<16xi32>], vector<16xi32>,
          %gather3A_167 = tpu.vector_load_idx %arg9[%add3A_82, %and3A_159] : memref<320x64xi32, #tpu.memory_space<vmem>>[vector<16xi32>, vector<16xi32>], vector<16xi32>,
          %gather3A_168 = tpu.vector_load_idx %arg8[%add3A_82, %and3A_166] : memref<320x64xi32, #tpu.memory_space<vmem>>[vector<16xi32>, vector<16xi32>], vector<16xi32>,
          %gather3A_169 = tpu.vector_load_idx %arg9[%add3A_82, %and3A_166] : memref<320x64xi32, #tpu.memory_space<vmem>>[vector<16xi32>, vector<16xi32>], vector<16xi32>,
          %bitcast3A = vector.bitcast %gather3A : vector<16xi32> to vector<32xbf16>
          %bitcast3A_170 = vector.bitcast %gather3A_167 : vector<16xi32> to vector<32xbf16>
          %mul3A_171 = arith.mulf %bitcast3A, %bitcast3A_170 : vector<32xbf16>
          %bitcast3A_172 = vector.bitcast %gather3A_168 : vector<16xi32> to vector<32xbf16>
          %bitcast3A_173 = vector.bitcast %gather3A_169 : vector<16xi32> to vector<32xbf16>
          %mul3A_174 = arith.mulf %bitcast3A_172, %bitcast3A_173 : vector<32xbf16>
          %add3A_175 = arith.addf %mul3A_171, %mul3A_174 : vector<32xbf16>
          %unpack3A = tpu.unpack_subelements %add3A_175, 0 {pack_format = #tpu.pack_format<interleaved>} : vector<32xbf16> -> vector<16xf32>
          %unpack3A_176 = tpu.unpack_subelements %add3A_175, 1 {pack_format = #tpu.pack_format<interleaved>} : vector<32xbf16> -> vector<16xf32>
          %add3A_177 = arith.addf %scan3A_150, %unpack3A : vector<16xf32>
          %add3A_178 = arith.addf %add3A_177, %unpack3A_176 : vector<16xf32>
          %gather3A_179 = tpu.vector_load_idx %arg8[%add3A_88, %and3A_159] : memref<320x64xi32, #tpu.memory_space<vmem>>[vector<16xi32>, vector<16xi32>], vector<16xi32>,
          %gather3A_180 = tpu.vector_load_idx %arg9[%add3A_88, %and3A_159] : memref<320x64xi32, #tpu.memory_space<vmem>>[vector<16xi32>, vector<16xi32>], vector<16xi32>,
          %gather3A_181 = tpu.vector_load_idx %arg8[%add3A_88, %and3A_166] : memref<320x64xi32, #tpu.memory_space<vmem>>[vector<16xi32>, vector<16xi32>], vector<16xi32>,
          %gather3A_182 = tpu.vector_load_idx %arg9[%add3A_88, %and3A_166] : memref<320x64xi32, #tpu.memory_space<vmem>>[vector<16xi32>, vector<16xi32>], vector<16xi32>,
          %bitcast3A_183 = vector.bitcast %gather3A_179 : vector<16xi32> to vector<32xbf16>
          %bitcast3A_184 = vector.bitcast %gather3A_180 : vector<16xi32> to vector<32xbf16>
          %mul3A_185 = arith.mulf %bitcast3A_183, %bitcast3A_184 : vector<32xbf16>
          %bitcast3A_186 = vector.bitcast %gather3A_181 : vector<16xi32> to vector<32xbf16>
          %bitcast3A_187 = vector.bitcast %gather3A_182 : vector<16xi32> to vector<32xbf16>
          %mul3A_188 = arith.mulf %bitcast3A_186, %bitcast3A_187 : vector<32xbf16>
          %add3A_189 = arith.addf %mul3A_185, %mul3A_188 : vector<32xbf16>
          %unpack3A_190 = tpu.unpack_subelements %add3A_189, 0 {pack_format = #tpu.pack_format<interleaved>} : vector<32xbf16> -> vector<16xf32>
          %unpack3A_191 = tpu.unpack_subelements %add3A_189, 1 {pack_format = #tpu.pack_format<interleaved>} : vector<32xbf16> -> vector<16xf32>
          %add3A_192 = arith.addf %scan3A_151, %unpack3A_190 : vector<16xf32>
          %add3A_193 = arith.addf %add3A_192, %unpack3A_191 : vector<16xf32>
          %gather3A_194 = tpu.vector_load_idx %arg8[%add3A_94, %and3A_159] : memref<320x64xi32, #tpu.memory_space<vmem>>[vector<16xi32>, vector<16xi32>], vector<16xi32>,
          %gather3A_195 = tpu.vector_load_idx %arg9[%add3A_94, %and3A_159] : memref<320x64xi32, #tpu.memory_space<vmem>>[vector<16xi32>, vector<16xi32>], vector<16xi32>,
          %gather3A_196 = tpu.vector_load_idx %arg8[%add3A_94, %and3A_166] : memref<320x64xi32, #tpu.memory_space<vmem>>[vector<16xi32>, vector<16xi32>], vector<16xi32>,
          %gather3A_197 = tpu.vector_load_idx %arg9[%add3A_94, %and3A_166] : memref<320x64xi32, #tpu.memory_space<vmem>>[vector<16xi32>, vector<16xi32>], vector<16xi32>,
          %bitcast3A_198 = vector.bitcast %gather3A_194 : vector<16xi32> to vector<32xbf16>
          %bitcast3A_199 = vector.bitcast %gather3A_195 : vector<16xi32> to vector<32xbf16>
          %mul3A_200 = arith.mulf %bitcast3A_198, %bitcast3A_199 : vector<32xbf16>
          %bitcast3A_201 = vector.bitcast %gather3A_196 : vector<16xi32> to vector<32xbf16>
          %bitcast3A_202 = vector.bitcast %gather3A_197 : vector<16xi32> to vector<32xbf16>
          %mul3A_203 = arith.mulf %bitcast3A_201, %bitcast3A_202 : vector<32xbf16>
          %add3A_204 = arith.addf %mul3A_200, %mul3A_203 : vector<32xbf16>
          %unpack3A_205 = tpu.unpack_subelements %add3A_204, 0 {pack_format = #tpu.pack_format<interleaved>} : vector<32xbf16> -> vector<16xf32>
          %unpack3A_206 = tpu.unpack_subelements %add3A_204, 1 {pack_format = #tpu.pack_format<interleaved>} : vector<32xbf16> -> vector<16xf32>
          %add3A_207 = arith.addf %scan3A_152, %unpack3A_205 : vector<16xf32>
          %add3A_208 = arith.addf %add3A_207, %unpack3A_206 : vector<16xf32>
          %gather3A_209 = tpu.vector_load_idx %arg8[%add3A_100, %and3A_159] : memref<320x64xi32, #tpu.memory_space<vmem>>[vector<16xi32>, vector<16xi32>], vector<16xi32>,
          %gather3A_210 = tpu.vector_load_idx %arg9[%add3A_100, %and3A_159] : memref<320x64xi32, #tpu.memory_space<vmem>>[vector<16xi32>, vector<16xi32>], vector<16xi32>,
          %gather3A_211 = tpu.vector_load_idx %arg8[%add3A_100, %and3A_166] : memref<320x64xi32, #tpu.memory_space<vmem>>[vector<16xi32>, vector<16xi32>], vector<16xi32>,
          %gather3A_212 = tpu.vector_load_idx %arg9[%add3A_100, %and3A_166] : memref<320x64xi32, #tpu.memory_space<vmem>>[vector<16xi32>, vector<16xi32>], vector<16xi32>,
          %bitcast3A_213 = vector.bitcast %gather3A_209 : vector<16xi32> to vector<32xbf16>
          %bitcast3A_214 = vector.bitcast %gather3A_210 : vector<16xi32> to vector<32xbf16>
          %mul3A_215 = arith.mulf %bitcast3A_213, %bitcast3A_214 : vector<32xbf16>
          %bitcast3A_216 = vector.bitcast %gather3A_211 : vector<16xi32> to vector<32xbf16>
          %bitcast3A_217 = vector.bitcast %gather3A_212 : vector<16xi32> to vector<32xbf16>
          %mul3A_218 = arith.mulf %bitcast3A_216, %bitcast3A_217 : vector<32xbf16>
          %add3A_219 = arith.addf %mul3A_215, %mul3A_218 : vector<32xbf16>
          %unpack3A_220 = tpu.unpack_subelements %add3A_219, 0 {pack_format = #tpu.pack_format<interleaved>} : vector<32xbf16> -> vector<16xf32>
          %unpack3A_221 = tpu.unpack_subelements %add3A_219, 1 {pack_format = #tpu.pack_format<interleaved>} : vector<32xbf16> -> vector<16xf32>
          %add3A_222 = arith.addf %scan3A_153, %unpack3A_220 : vector<16xf32>
          %add3A_223 = arith.addf %add3A_222, %unpack3A_221 : vector<16xf32>
          scf.yield %add3A_178, %add3A_193, %add3A_208, %add3A_223 : vector<16xf32>, vector<16xf32>, vector<16xf32>, vector<16xf32>
        }
        %scan3A_113 = arith.constant 32 : i32
        %mul3A_114 = arith.constant 320 : i32
        %mul3A_115 = arith.muli %add3A_22, %mul3A_114 : i32
        %mul3A_116 = arith.constant 64 : i32
        %mul3A_117 = arith.muli %add3A_76, %mul3A_116 : i32
        %add3A_118 = arith.addi %mul3A_115, %mul3A_117 : i32
        %add3A_119 = arith.constant 0 : i32
        %add3A_120 = arith.addi %add3A_118, %add3A_119 : i32
        %swap3A = arith.index_cast %add3A_120 : i32 to index
        %swap3A_121 = tpu.vector_load %arg12[%swap3A] {strides = array<i32>} : memref<10240xf32, #tpu.memory_space<vmem>>, vector<16xf32>,
        tpu.vector_store %arg12[%swap3A], %scan3A_112#0 {strides = array<i32>} : memref<10240xf32, #tpu.memory_space<vmem>>, vector<16xf32>,
        %mul3A_122 = arith.constant 320 : i32
        %mul3A_123 = arith.muli %add3A_22, %mul3A_122 : i32
        %mul3A_124 = arith.constant 64 : i32
        %mul3A_125 = arith.muli %add3A_76, %mul3A_124 : i32
        %add3A_126 = arith.addi %mul3A_123, %mul3A_125 : i32
        %add3A_127 = arith.constant 16 : i32
        %add3A_128 = arith.addi %add3A_126, %add3A_127 : i32
        %swap3A_129 = arith.index_cast %add3A_128 : i32 to index
        %swap3A_130 = tpu.vector_load %arg12[%swap3A_129] {strides = array<i32>} : memref<10240xf32, #tpu.memory_space<vmem>>, vector<16xf32>,
        tpu.vector_store %arg12[%swap3A_129], %scan3A_112#1 {strides = array<i32>} : memref<10240xf32, #tpu.memory_space<vmem>>, vector<16xf32>,
        %mul3A_131 = arith.constant 320 : i32
        %mul3A_132 = arith.muli %add3A_22, %mul3A_131 : i32
        %mul3A_133 = arith.constant 64 : i32
        %mul3A_134 = arith.muli %add3A_76, %mul3A_133 : i32
        %add3A_135 = arith.addi %mul3A_132, %mul3A_134 : i32
        %add3A_136 = arith.constant 32 : i32
        %add3A_137 = arith.addi %add3A_135, %add3A_136 : i32
        %swap3A_138 = arith.index_cast %add3A_137 : i32 to index
        %swap3A_139 = tpu.vector_load %arg12[%swap3A_138] {strides = array<i32>} : memref<10240xf32, #tpu.memory_space<vmem>>, vector<16xf32>,
        tpu.vector_store %arg12[%swap3A_138], %scan3A_112#2 {strides = array<i32>} : memref<10240xf32, #tpu.memory_space<vmem>>, vector<16xf32>,
        %mul3A_140 = arith.constant 320 : i32
        %mul3A_141 = arith.muli %add3A_22, %mul3A_140 : i32
        %mul3A_142 = arith.constant 64 : i32
        %mul3A_143 = arith.muli %add3A_76, %mul3A_142 : i32
        %add3A_144 = arith.addi %mul3A_141, %mul3A_143 : i32
        %add3A_145 = arith.constant 48 : i32
        %add3A_146 = arith.addi %add3A_144, %add3A_145 : i32
        %swap3A_147 = arith.index_cast %add3A_146 : i32 to index
        %swap3A_148 = tpu.vector_load %arg12[%swap3A_147] {strides = array<i32>} : memref<10240xf32, #tpu.memory_space<vmem>>, vector<16xf32>,
        tpu.vector_store %arg12[%swap3A_147], %scan3A_112#3 {strides = array<i32>} : memref<10240xf32, #tpu.memory_space<vmem>>, vector<16xf32>,
      }
      %scan3A_50 = arith.constant 5 : i32
      %add3A_51 = arith.constant 2 : i32
      %add3A_52 = arith.addi %add3A_22, %add3A_51 : i32
      %lt3A = arith.constant 32 : i32
      %lt3A_53 = arith.cmpi slt, %add3A_52, %lt3A : i32
      %convert_element_type3A = arith.extui %lt3A_53 : i1 to i32
      %cond3A = arith.constant 0 : i32
      %cond3A_54 = arith.cmpi ne, %convert_element_type3A, %cond3A : i32
      scf.if %cond3A_54 {
        %add3A_72 = arith.constant 2 : i32
        %add3A_73 = arith.addi %add3A_22, %add3A_72 : i32
        %mul3A_74 = arith.constant 320 : i32
        %mul3A_75 = arith.muli %add3A_73, %mul3A_74 : i32
        %dma_start3A_76 = tpu.memref_slice %arg6[%mul3A_75] : memref<10240xi32, #tpu.memory_space<vmem>> -> memref<320xi32, #tpu.memory_space<vmem>>
        %dma_start3A_77 = arith.constant 0 : i32
        %dma_start3A_78 = arith.constant 0 : i32
        %dma_start3A_79 = tpu.memref_slice %arg2[%dma_start3A_77, %dma_start3A_78] : memref<10000x64xi32, #tpu.memory_space<hbm>> -> memref<10000x64xi32, #tpu.memory_space<hbm>>
        tpu.enqueue_indirect_dma source(%dma_start3A_79 : memref<10000x64xi32, #tpu.memory_space<hbm>>) target(%arg8 : memref<320x64xi32, #tpu.memory_space<vmem>>) offsets(%dma_start3A_76 : memref<320xi32, #tpu.memory_space<vmem>>) semaphore(%arg13 : memref<!tpu.dma_semaphore, #tpu.memory_space<semaphore_mem>>)
        %mul3A_80 = arith.constant 320 : i32
        %mul3A_81 = arith.muli %add3A_73, %mul3A_80 : i32
        %dma_start3A_82 = tpu.memref_slice %arg7[%mul3A_81] : memref<10240xi32, #tpu.memory_space<vmem>> -> memref<320xi32, #tpu.memory_space<vmem>>
        %dma_start3A_83 = arith.constant 0 : i32
        %dma_start3A_84 = arith.constant 0 : i32
        %dma_start3A_85 = tpu.memref_slice %arg2[%dma_start3A_83, %dma_start3A_84] : memref<10000x64xi32, #tpu.memory_space<hbm>> -> memref<10000x64xi32, #tpu.memory_space<hbm>>
        tpu.enqueue_indirect_dma source(%dma_start3A_85 : memref<10000x64xi32, #tpu.memory_space<hbm>>) target(%arg9 : memref<320x64xi32, #tpu.memory_space<vmem>>) offsets(%dma_start3A_82 : memref<320xi32, #tpu.memory_space<vmem>>) semaphore(%arg13 : memref<!tpu.dma_semaphore, #tpu.memory_space<semaphore_mem>>)
      } else {
      }
      %dma_wait3A_55 = arith.constant 0 : i32
      %dma_wait3A_56 = tpu.memref_slice %arg6[%dma_wait3A_55] : memref<10240xi32, #tpu.memory_space<vmem>> -> memref<320xi32, #tpu.memory_space<vmem>>
      %dma_wait3A_57 = arith.constant 0 : i32
      %dma_wait3A_58 = arith.constant 0 : i32
      %dma_wait3A_59 = tpu.memref_slice %arg2[%dma_wait3A_57, %dma_wait3A_58] : memref<10000x64xi32, #tpu.memory_space<hbm>> -> memref<10000x64xi32, #tpu.memory_space<hbm>>
      tpu.wait_indirect_dma semaphore(%arg14 : memref<!tpu.dma_semaphore, #tpu.memory_space<semaphore_mem>>) src(%dma_wait3A_59 : memref<10000x64xi32, #tpu.memory_space<hbm>>) dst(%arg10 : memref<320x64xi32, #tpu.memory_space<vmem>>)
      %dma_wait3A_60 = arith.constant 0 : i32
      %dma_wait3A_61 = tpu.memref_slice %arg7[%dma_wait3A_60] : memref<10240xi32, #tpu.memory_space<vmem>> -> memref<320xi32, #tpu.memory_space<vmem>>
      %dma_wait3A_62 = arith.constant 0 : i32
      %dma_wait3A_63 = arith.constant 0 : i32
      %dma_wait3A_64 = tpu.memref_slice %arg2[%dma_wait3A_62, %dma_wait3A_63] : memref<10000x64xi32, #tpu.memory_space<hbm>> -> memref<10000x64xi32, #tpu.memory_space<hbm>>
      tpu.wait_indirect_dma semaphore(%arg14 : memref<!tpu.dma_semaphore, #tpu.memory_space<semaphore_mem>>) src(%dma_wait3A_64 : memref<10000x64xi32, #tpu.memory_space<hbm>>) dst(%arg11 : memref<320x64xi32, #tpu.memory_space<vmem>>)
      %add3A_65 = arith.constant 1 : i32
      %add3A_66 = arith.addi %add3A_22, %add3A_65 : i32
      %scan3A_67 = arith.constant 0 : i32
      %scan3A_68 = arith.constant 5 : i32
      %scan3A_69 = arith.addi %scan3A_67, %scan3A_68 : i32
      %scan3A_70 = arith.constant 1 : i32
      scf.for %scan3A_72 = %scan3A_67 to %scan3A_69 step %scan3A_70  : i32 {
        %mul3A_73 = arith.constant 1 : i32
        %mul3A_74 = arith.muli %scan3A_72, %mul3A_73 : i32
        %add3A_75 = arith.constant 0 : i32
        %add3A_76 = arith.addi %add3A_75, %mul3A_74 : i32
        %iota3A = tpu.iota {dimensions = array<i32: 0>} : vector<16xi32>
        %mul3A_77 = arith.constant 64 : i32
        %mul3A_78 = arith.muli %add3A_76, %mul3A_77 : i32
        %add3A_79 = arith.constant 0 : i32
        %add3A_80 = arith.addi %mul3A_78, %add3A_79 : i32
        %add3A_81 = vector.broadcast %add3A_80 : i32 to vector<16xi32>
        %add3A_82 = arith.addi %add3A_81, %iota3A : vector<16xi32>
        %mul3A_83 = arith.constant 64 : i32
        %mul3A_84 = arith.muli %add3A_76, %mul3A_83 : i32
        %add3A_85 = arith.constant 16 : i32
        %add3A_86 = arith.addi %mul3A_84, %add3A_85 : i32
        %add3A_87 = vector.broadcast %add3A_86 : i32 to vector<16xi32>
        %add3A_88 = arith.addi %add3A_87, %iota3A : vector<16xi32>
        %mul3A_89 = arith.constant 64 : i32
        %mul3A_90 = arith.muli %add3A_76, %mul3A_89 : i32
        %add3A_91 = arith.constant 32 : i32
        %add3A_92 = arith.addi %mul3A_90, %add3A_91 : i32
        %add3A_93 = vector.broadcast %add3A_92 : i32 to vector<16xi32>
        %add3A_94 = arith.addi %add3A_93, %iota3A : vector<16xi32>
        %mul3A_95 = arith.constant 64 : i32
        %mul3A_96 = arith.muli %add3A_76, %mul3A_95 : i32
        %add3A_97 = arith.constant 48 : i32
        %add3A_98 = arith.addi %mul3A_96, %add3A_97 : i32
        %add3A_99 = vector.broadcast %add3A_98 : i32 to vector<16xi32>
        %add3A_100 = arith.addi %add3A_99, %iota3A : vector<16xi32>
        %broadcast_in_dim3A = arith.constant 0.000000e+00 : f32
        %broadcast_in_dim3A_101 = vector.broadcast %broadcast_in_dim3A : f32 to vector<16xf32>
        %broadcast_in_dim3A_102 = arith.constant 0.000000e+00 : f32
        %broadcast_in_dim3A_103 = vector.broadcast %broadcast_in_dim3A_102 : f32 to vector<16xf32>
        %broadcast_in_dim3A_104 = arith.constant 0.000000e+00 : f32
        %broadcast_in_dim3A_105 = vector.broadcast %broadcast_in_dim3A_104 : f32 to vector<16xf32>
        %broadcast_in_dim3A_106 = arith.constant 0.000000e+00 : f32
        %broadcast_in_dim3A_107 = vector.broadcast %broadcast_in_dim3A_106 : f32 to vector<16xf32>
        %scan3A_108 = arith.constant 0 : i32
        %scan3A_109 = arith.constant 32 : i32
        %scan3A_110 = arith.addi %scan3A_108, %scan3A_109 : i32
        %scan3A_111 = arith.constant 1 : i32
        %scan3A_112:4 = scf.for %scan3A_149 = %scan3A_108 to %scan3A_110 step %scan3A_111 iter_args(%scan3A_150 = %broadcast_in_dim3A_101, %scan3A_151 = %broadcast_in_dim3A_103, %scan3A_152 = %broadcast_in_dim3A_105, %scan3A_153 = %broadcast_in_dim3A_107) -> (vector<16xf32>, vector<16xf32>, vector<16xf32>, vector<16xf32>)  : i32 {
          %mul3A_154 = arith.constant 2 : i32
          %mul3A_155 = arith.muli %scan3A_149, %mul3A_154 : i32
          %add3A_156 = vector.broadcast %mul3A_155 : i32 to vector<16xi32>
          %add3A_157 = arith.addi %add3A_156, %iota3A : vector<16xi32>
          %and3A = arith.constant 63 : i32
          %and3A_158 = vector.broadcast %and3A : i32 to vector<16xi32>
          %and3A_159 = arith.andi %add3A_157, %and3A_158 : vector<16xi32>
          %add3A_160 = arith.constant 1 : i32
          %add3A_161 = arith.addi %mul3A_155, %add3A_160 : i32
          %add3A_162 = vector.broadcast %add3A_161 : i32 to vector<16xi32>
          %add3A_163 = arith.addi %add3A_162, %iota3A : vector<16xi32>
          %and3A_164 = arith.constant 63 : i32
          %and3A_165 = vector.broadcast %and3A_164 : i32 to vector<16xi32>
          %and3A_166 = arith.andi %add3A_163, %and3A_165 : vector<16xi32>
          %gather3A = tpu.vector_load_idx %arg10[%add3A_82, %and3A_159] : memref<320x64xi32, #tpu.memory_space<vmem>>[vector<16xi32>, vector<16xi32>], vector<16xi32>,
          %gather3A_167 = tpu.vector_load_idx %arg11[%add3A_82, %and3A_159] : memref<320x64xi32, #tpu.memory_space<vmem>>[vector<16xi32>, vector<16xi32>], vector<16xi32>,
          %gather3A_168 = tpu.vector_load_idx %arg10[%add3A_82, %and3A_166] : memref<320x64xi32, #tpu.memory_space<vmem>>[vector<16xi32>, vector<16xi32>], vector<16xi32>,
          %gather3A_169 = tpu.vector_load_idx %arg11[%add3A_82, %and3A_166] : memref<320x64xi32, #tpu.memory_space<vmem>>[vector<16xi32>, vector<16xi32>], vector<16xi32>,
          %bitcast3A = vector.bitcast %gather3A : vector<16xi32> to vector<32xbf16>
          %bitcast3A_170 = vector.bitcast %gather3A_167 : vector<16xi32> to vector<32xbf16>
          %mul3A_171 = arith.mulf %bitcast3A, %bitcast3A_170 : vector<32xbf16>
          %bitcast3A_172 = vector.bitcast %gather3A_168 : vector<16xi32> to vector<32xbf16>
          %bitcast3A_173 = vector.bitcast %gather3A_169 : vector<16xi32> to vector<32xbf16>
          %mul3A_174 = arith.mulf %bitcast3A_172, %bitcast3A_173 : vector<32xbf16>
          %add3A_175 = arith.addf %mul3A_171, %mul3A_174 : vector<32xbf16>
          %unpack3A = tpu.unpack_subelements %add3A_175, 0 {pack_format = #tpu.pack_format<interleaved>} : vector<32xbf16> -> vector<16xf32>
          %unpack3A_176 = tpu.unpack_subelements %add3A_175, 1 {pack_format = #tpu.pack_format<interleaved>} : vector<32xbf16> -> vector<16xf32>
          %add3A_177 = arith.addf %scan3A_150, %unpack3A : vector<16xf32>
          %add3A_178 = arith.addf %add3A_177, %unpack3A_176 : vector<16xf32>
          %gather3A_179 = tpu.vector_load_idx %arg10[%add3A_88, %and3A_159] : memref<320x64xi32, #tpu.memory_space<vmem>>[vector<16xi32>, vector<16xi32>], vector<16xi32>,
          %gather3A_180 = tpu.vector_load_idx %arg11[%add3A_88, %and3A_159] : memref<320x64xi32, #tpu.memory_space<vmem>>[vector<16xi32>, vector<16xi32>], vector<16xi32>,
          %gather3A_181 = tpu.vector_load_idx %arg10[%add3A_88, %and3A_166] : memref<320x64xi32, #tpu.memory_space<vmem>>[vector<16xi32>, vector<16xi32>], vector<16xi32>,
          %gather3A_182 = tpu.vector_load_idx %arg11[%add3A_88, %and3A_166] : memref<320x64xi32, #tpu.memory_space<vmem>>[vector<16xi32>, vector<16xi32>], vector<16xi32>,
          %bitcast3A_183 = vector.bitcast %gather3A_179 : vector<16xi32> to vector<32xbf16>
          %bitcast3A_184 = vector.bitcast %gather3A_180 : vector<16xi32> to vector<32xbf16>
          %mul3A_185 = arith.mulf %bitcast3A_183, %bitcast3A_184 : vector<32xbf16>
          %bitcast3A_186 = vector.bitcast %gather3A_181 : vector<16xi32> to vector<32xbf16>
          %bitcast3A_187 = vector.bitcast %gather3A_182 : vector<16xi32> to vector<32xbf16>
          %mul3A_188 = arith.mulf %bitcast3A_186, %bitcast3A_187 : vector<32xbf16>
          %add3A_189 = arith.addf %mul3A_185, %mul3A_188 : vector<32xbf16>
          %unpack3A_190 = tpu.unpack_subelements %add3A_189, 0 {pack_format = #tpu.pack_format<interleaved>} : vector<32xbf16> -> vector<16xf32>
          %unpack3A_191 = tpu.unpack_subelements %add3A_189, 1 {pack_format = #tpu.pack_format<interleaved>} : vector<32xbf16> -> vector<16xf32>
          %add3A_192 = arith.addf %scan3A_151, %unpack3A_190 : vector<16xf32>
          %add3A_193 = arith.addf %add3A_192, %unpack3A_191 : vector<16xf32>
          %gather3A_194 = tpu.vector_load_idx %arg10[%add3A_94, %and3A_159] : memref<320x64xi32, #tpu.memory_space<vmem>>[vector<16xi32>, vector<16xi32>], vector<16xi32>,
          %gather3A_195 = tpu.vector_load_idx %arg11[%add3A_94, %and3A_159] : memref<320x64xi32, #tpu.memory_space<vmem>>[vector<16xi32>, vector<16xi32>], vector<16xi32>,
          %gather3A_196 = tpu.vector_load_idx %arg10[%add3A_94, %and3A_166] : memref<320x64xi32, #tpu.memory_space<vmem>>[vector<16xi32>, vector<16xi32>], vector<16xi32>,
          %gather3A_197 = tpu.vector_load_idx %arg11[%add3A_94, %and3A_166] : memref<320x64xi32, #tpu.memory_space<vmem>>[vector<16xi32>, vector<16xi32>], vector<16xi32>,
          %bitcast3A_198 = vector.bitcast %gather3A_194 : vector<16xi32> to vector<32xbf16>
          %bitcast3A_199 = vector.bitcast %gather3A_195 : vector<16xi32> to vector<32xbf16>
          %mul3A_200 = arith.mulf %bitcast3A_198, %bitcast3A_199 : vector<32xbf16>
          %bitcast3A_201 = vector.bitcast %gather3A_196 : vector<16xi32> to vector<32xbf16>
          %bitcast3A_202 = vector.bitcast %gather3A_197 : vector<16xi32> to vector<32xbf16>
          %mul3A_203 = arith.mulf %bitcast3A_201, %bitcast3A_202 : vector<32xbf16>
          %add3A_204 = arith.addf %mul3A_200, %mul3A_203 : vector<32xbf16>
          %unpack3A_205 = tpu.unpack_subelements %add3A_204, 0 {pack_format = #tpu.pack_format<interleaved>} : vector<32xbf16> -> vector<16xf32>
          %unpack3A_206 = tpu.unpack_subelements %add3A_204, 1 {pack_format = #tpu.pack_format<interleaved>} : vector<32xbf16> -> vector<16xf32>
          %add3A_207 = arith.addf %scan3A_152, %unpack3A_205 : vector<16xf32>
          %add3A_208 = arith.addf %add3A_207, %unpack3A_206 : vector<16xf32>
          %gather3A_209 = tpu.vector_load_idx %arg10[%add3A_100, %and3A_159] : memref<320x64xi32, #tpu.memory_space<vmem>>[vector<16xi32>, vector<16xi32>], vector<16xi32>,
          %gather3A_210 = tpu.vector_load_idx %arg11[%add3A_100, %and3A_159] : memref<320x64xi32, #tpu.memory_space<vmem>>[vector<16xi32>, vector<16xi32>], vector<16xi32>,
          %gather3A_211 = tpu.vector_load_idx %arg10[%add3A_100, %and3A_166] : memref<320x64xi32, #tpu.memory_space<vmem>>[vector<16xi32>, vector<16xi32>], vector<16xi32>,
          %gather3A_212 = tpu.vector_load_idx %arg11[%add3A_100, %and3A_166] : memref<320x64xi32, #tpu.memory_space<vmem>>[vector<16xi32>, vector<16xi32>], vector<16xi32>,
          %bitcast3A_213 = vector.bitcast %gather3A_209 : vector<16xi32> to vector<32xbf16>
          %bitcast3A_214 = vector.bitcast %gather3A_210 : vector<16xi32> to vector<32xbf16>
          %mul3A_215 = arith.mulf %bitcast3A_213, %bitcast3A_214 : vector<32xbf16>
          %bitcast3A_216 = vector.bitcast %gather3A_211 : vector<16xi32> to vector<32xbf16>
          %bitcast3A_217 = vector.bitcast %gather3A_212 : vector<16xi32> to vector<32xbf16>
          %mul3A_218 = arith.mulf %bitcast3A_216, %bitcast3A_217 : vector<32xbf16>
          %add3A_219 = arith.addf %mul3A_215, %mul3A_218 : vector<32xbf16>
          %unpack3A_220 = tpu.unpack_subelements %add3A_219, 0 {pack_format = #tpu.pack_format<interleaved>} : vector<32xbf16> -> vector<16xf32>
          %unpack3A_221 = tpu.unpack_subelements %add3A_219, 1 {pack_format = #tpu.pack_format<interleaved>} : vector<32xbf16> -> vector<16xf32>
          %add3A_222 = arith.addf %scan3A_153, %unpack3A_220 : vector<16xf32>
          %add3A_223 = arith.addf %add3A_222, %unpack3A_221 : vector<16xf32>
          scf.yield %add3A_178, %add3A_193, %add3A_208, %add3A_223 : vector<16xf32>, vector<16xf32>, vector<16xf32>, vector<16xf32>
        }
        %scan3A_113 = arith.constant 32 : i32
        %mul3A_114 = arith.constant 320 : i32
        %mul3A_115 = arith.muli %add3A_66, %mul3A_114 : i32
        %mul3A_116 = arith.constant 64 : i32
        %mul3A_117 = arith.muli %add3A_76, %mul3A_116 : i32
        %add3A_118 = arith.addi %mul3A_115, %mul3A_117 : i32
        %add3A_119 = arith.constant 0 : i32
        %add3A_120 = arith.addi %add3A_118, %add3A_119 : i32
        %swap3A = arith.index_cast %add3A_120 : i32 to index
        %swap3A_121 = tpu.vector_load %arg12[%swap3A] {strides = array<i32>} : memref<10240xf32, #tpu.memory_space<vmem>>, vector<16xf32>,
        tpu.vector_store %arg12[%swap3A], %scan3A_112#0 {strides = array<i32>} : memref<10240xf32, #tpu.memory_space<vmem>>, vector<16xf32>,
        %mul3A_122 = arith.constant 320 : i32
        %mul3A_123 = arith.muli %add3A_66, %mul3A_122 : i32
        %mul3A_124 = arith.constant 64 : i32
        %mul3A_125 = arith.muli %add3A_76, %mul3A_124 : i32
        %add3A_126 = arith.addi %mul3A_123, %mul3A_125 : i32
        %add3A_127 = arith.constant 16 : i32
        %add3A_128 = arith.addi %add3A_126, %add3A_127 : i32
        %swap3A_129 = arith.index_cast %add3A_128 : i32 to index
        %swap3A_130 = tpu.vector_load %arg12[%swap3A_129] {strides = array<i32>} : memref<10240xf32, #tpu.memory_space<vmem>>, vector<16xf32>,
        tpu.vector_store %arg12[%swap3A_129], %scan3A_112#1 {strides = array<i32>} : memref<10240xf32, #tpu.memory_space<vmem>>, vector<16xf32>,
        %mul3A_131 = arith.constant 320 : i32
        %mul3A_132 = arith.muli %add3A_66, %mul3A_131 : i32
        %mul3A_133 = arith.constant 64 : i32
        %mul3A_134 = arith.muli %add3A_76, %mul3A_133 : i32
        %add3A_135 = arith.addi %mul3A_132, %mul3A_134 : i32
        %add3A_136 = arith.constant 32 : i32
        %add3A_137 = arith.addi %add3A_135, %add3A_136 : i32
        %swap3A_138 = arith.index_cast %add3A_137 : i32 to index
        %swap3A_139 = tpu.vector_load %arg12[%swap3A_138] {strides = array<i32>} : memref<10240xf32, #tpu.memory_space<vmem>>, vector<16xf32>,
        tpu.vector_store %arg12[%swap3A_138], %scan3A_112#2 {strides = array<i32>} : memref<10240xf32, #tpu.memory_space<vmem>>, vector<16xf32>,
        %mul3A_140 = arith.constant 320 : i32
        %mul3A_141 = arith.muli %add3A_66, %mul3A_140 : i32
        %mul3A_142 = arith.constant 64 : i32
        %mul3A_143 = arith.muli %add3A_76, %mul3A_142 : i32
        %add3A_144 = arith.addi %mul3A_141, %mul3A_143 : i32
        %add3A_145 = arith.constant 48 : i32
        %add3A_146 = arith.addi %add3A_144, %add3A_145 : i32
        %swap3A_147 = arith.index_cast %add3A_146 : i32 to index
        %swap3A_148 = tpu.vector_load %arg12[%swap3A_147] {strides = array<i32>} : memref<10240xf32, #tpu.memory_space<vmem>>, vector<16xf32>,
        tpu.vector_store %arg12[%swap3A_147], %scan3A_112#3 {strides = array<i32>} : memref<10240xf32, #tpu.memory_space<vmem>>, vector<16xf32>,
      }
      %scan3A_71 = arith.constant 5 : i32
    }
    %scan3A_15 = arith.constant 16 : i32
    %mul3A_16 = arith.constant 10240 : i32
    %mul3A_17 = arith.muli %add3A, %mul3A_16 : i32
    "tpu.region"() ({
      %run_scoped3A = tpu.sem_alloc : memref<!tpu.dma_semaphore, #tpu.memory_space<semaphore_mem>>
      %dma_start3A_18 = tpu.memref_slice %arg5[%mul3A_17] : memref<327680xf32, #tpu.memory_space<hbm>> -> memref<10240xf32, #tpu.memory_space<hbm>>
      %dma_start3A_19 = tpu.memref_slice %arg5[%mul3A_17] : memref<327680xf32, #tpu.memory_space<hbm>> -> memref<10240xf32, #tpu.memory_space<hbm>>
      tpu.enqueue_dma source(%arg12 : memref<10240xf32, #tpu.memory_space<vmem>>) target(%dma_start3A_19 : memref<10240xf32, #tpu.memory_space<hbm>>) target_semaphore(%run_scoped3A : memref<!tpu.dma_semaphore, #tpu.memory_space<semaphore_mem>>)
      %dma_wait3A = tpu.memref_slice %arg5[%mul3A_17] : memref<327680xf32, #tpu.memory_space<hbm>> -> memref<10240xf32, #tpu.memory_space<hbm>>
      %dma_wait3A_20 = tpu.memref_slice %arg5[%mul3A_17] : memref<327680xf32, #tpu.memory_space<hbm>> -> memref<10240xf32, #tpu.memory_space<hbm>>
      tpu.wait_dma2 semaphore(%run_scoped3A : memref<!tpu.dma_semaphore, #tpu.memory_space<semaphore_mem>>) src(%arg12 : memref<10240xf32, #tpu.memory_space<vmem>>) dst(%dma_wait3A_20 : memref<10240xf32, #tpu.memory_space<hbm>>)
      tpu.yield
    }) : () -> ()
    return
  }
}

module attributes {stable_mosaic.version = 14 : i64} {
  func.func @_normalize_body(%arg0: i32, %arg1: memref<1000x128xf32, #tpu.memory_space<vmem>>, %arg2: memref<1000x128xf32, #tpu.memory_space<vmem>>) attributes {dimension_semantics = [#tpu.dimension_semantics<arbitrary>], iteration_bounds = array<i64: 10>, scalar_prefetch = 0 : i64, scratch_operands = 0 : i64, tpu.core_type = #tpu.core_type<tc>, window_params = [{transform_indices = @transform_0, window_bounds = array<i64: 1000, 128>}, {transform_indices = @transform_1, window_bounds = array<i64: 1000, 128>}]} {
    %get3A = arith.constant 0 : index
    %get3A_0 = arith.constant 0 : index
    %get3A_1 = vector.load %arg1[%get3A, %get3A_0] : memref<1000x128xf32, #tpu.memory_space<vmem>>, vector<1000x128xf32>
    %mul3A = arith.mulf %get3A_1, %get3A_1 : vector<1000x128xf32>
    %reduce_sum3A = arith.constant dense<0.000000e+00> : vector<1000xf32>
    %reduce_sum3A_2 = vector.multi_reduction <add>, %mul3A, %reduce_sum3A [1] : vector<1000x128xf32> to vector<1000xf32>
    %broadcast_in_dim3A = vector.shape_cast %reduce_sum3A_2 : vector<1000xf32> to vector<1000x1xf32>
    %sqrt3A = math.sqrt %broadcast_in_dim3A : vector<1000x1xf32>
    %max3A = arith.constant 9.99999996E-13 : f32
    %max3A_3 = vector.broadcast %max3A : f32 to vector<1000x1xf32>
    %max3A_4 = arith.maximumf %sqrt3A, %max3A_3 : vector<1000x1xf32>
    %div3A = vector.broadcast %max3A_4 : vector<1000x1xf32> to vector<1000x128xf32>
    %div3A_5 = arith.divf %get3A_1, %div3A : vector<1000x128xf32>
    %swap3A = arith.constant 0 : index
    %swap3A_6 = arith.constant 0 : index
    %swap3A_7 = vector.load %arg2[%swap3A, %swap3A_6] : memref<1000x128xf32, #tpu.memory_space<vmem>>, vector<1000x128xf32>
    tpu.vector_store %arg2[%swap3A, %swap3A_6], %div3A_5 {strides = array<i32>} : memref<1000x128xf32, #tpu.memory_space<vmem>>, vector<1000x128xf32>,
    return
  }
  func.func @transform_0(%arg0: i32) -> (i32, i32) {
    %c0_i32 = arith.constant 0 : i32
    %c0_i32_0 = arith.constant 0 : i32
    return %arg0, %c0_i32 : i32, i32
  }
  func.func @transform_1(%arg0: i32) -> (i32, i32) {
    %c0_i32 = arith.constant 0 : i32
    %c0_i32_0 = arith.constant 0 : i32
    return %arg0, %c0_i32 : i32, i32
  }
}

</mosaic_0001>

<sc_bundles>
// kernel: kernel.4.cloned.1.call-start
scs
__scs_entry_jumppad:
0x0: {  	(pc) =	sbr.rel $0x88, $3  }
0x1: {  	(tag) =	ssettag $0x0;
	lr =	simm.s32 $0x1  }
0x2: {  	[smem:$0x3F9F] =	sst lr;
	_ =	strace $0xD0000000  }
0x3: {  	_ = 	snop  }
0x4: {  	_ = 	snop  }
0x5: {  	_ = 	snop  }
0x6: {  	_ = 	snop  }
0x7: {  	_ = 	snop  }
__scs_overlays_trampoline_lowered:
0x8: {  	[smem:$0x3FAE] =	sst s0  }
0x9: {  	[smem:$0x3FAF] =	sst s1  }
0xa: {  	[smem:$0x3FB0] =	sst s2  }
0xb: {  	[smem:$0x3FB1] =	sst s3  }
0xc: {  	[smem:$0x3FB2] =	sst s4  }
0xd: {  	[smem:$0x3FB3] =	sst s5  }
0xe: {  	[smem:$0x3FB4] =	sst s6  }
0xf: {  	[smem:$0x3FB5] =	sst s7  }
0x10: {  	[smem:$0x3FB6] =	sst s8  }
0x11: {  	[smem:$0x3FB7] =	sst s9;
	s0 =	simm.s32 @!p0 $0x0  }
0x12: {  	s1 =	sld [smem:$0x3F9D];
	s0 =	simm.s32 @p0 $0x1  }
0x13: {  	[smem:$0x3FB8] =	sst s0;
	s0 =	simm.s32 @!p1 $0x0  }
0x14: {  	s2 =	sld [smem:$0x3F9C];
	s0 =	simm.s32 @p1 $0x1  }
0x15: {  	[smem:$0x3FB9] =	sst s0;
	s0 =	simm.s32 @!p2 $0x0  }
0x16: {  	s3 =	sld [smem:$0x3FDB];
	s0 =	simm.s32 @p2 $0x1  }
0x17: {  	s4 =	simm.s32 $0x1BF5;
	[smem:$0x3FBB] =	sst s0  }
0x18: {  	s0 =	sld [smem:$0x3F9E];
	_ =	swait.ge [sflag:s4], $0x0  }
0x19: {  	s7 =	sld [smem:$0x3F9F]  }
0x1a: {  	s8 =	sadd.s32 $0xFFFFE003, lr  }
0x1b: {  	s9 =	sadd.s32 $0xFFFFFEF7, lr;
	s5 =	simm.s32 $0xFFFFFFFF;
	p2 =	slt.u32 s8, $0xFFFFF086  }
0x1c: {  	p1 =	slt.u32 s9, $0xF7A;
	s5 =	simm.s32 @!p2 $0x0  }
0x1d: {  	s5 =	simm.s32 @p1 $0x1;
	p0 =	seq.s32 s7, s2  }
0x1e: {  	s7 =	smul.u32 @!p0 $0xF7A, s2;
	p2 =	seq.s32 @!p0 s5, $0x0  }
0x1f: {  	s9 =	smul.u32 $0xF7A, s1;
	s8 =	simm.s32 @!p0 $0x1BF5;
	p2 =	por !p2, p0  }
0x20: {  	[sflag:s8] =	ssyncset.s32 @!p0 $0xFFFFF086;
	s6 =	sadd.s32 @!p0 s3, s7;
	s7 =	simm.s32 @!p0 $0x108  }
0x21: {  	s3 =	sadd.s32 s3, s9;
	s6 =	sadd.s32 @!p0 $0x88, s6;
	s7 =	simm.s32 @p2 $0x1082  }
0x22: {  	[simem:s7], [sflag:s8] =	dma.local @!p0 [hbm:s6], $0xF7A  }
0x23: {  	s9 =	sor.u32 $0xD0000000, s2;
	s6 =	simm.s32 $0x108;
	_ =	swait.ge @!p0 [sflag:s8], $0x0  }
0x24: {  	s3 =	sadd.s32 $0x88, s3;
	s6 =	simm.s32 @!p1 $0x1082;
	[sflag:s4] =	ssyncset.s32 $0xFFFFF086  }
0x25: {  	[simem:s6], [sflag:s4] =	dma.local [hbm:s3], $0xF7A  }
0x26: {  	[smem:$0x3F9F] =	sst s1;
	(tag) =	ssettag s2;
	_ =	strace s9  }
0x27: {  	s1 =	sld [smem:$0x3FAF]  }
0x28: {  	s2 =	sld [smem:$0x3FB0]  }
0x29: {  	s4 =	sld [smem:$0x3FB2]  }
0x2a: {  	p0 =	seq.s32 s5, $0x0;
	s5 =	sld [smem:$0x3FB3]  }
0x2b: {  	s6 =	sld [smem:$0x3FB4]  }
0x2c: {  	s7 =	sld [smem:$0x3FB5]  }
0x2d: {  	s3 =	simm.s32 $0x108;
	s8 =	sld [smem:$0x3FB6]  }
0x2e: {  	s3 =	simm.s32 @!p0 $0x1082;
	s9 =	sld [smem:$0x3FB7]  }
0x2f: {  	lr =	sadd.s32 s0, s3;
	s0 =	sld [smem:$0x3FAE]  }
0x30: {  	s3 =	sld [smem:$0x3FB1]  }
0x31: {  	[smem:$0x3FBA] =	sst s10  }
0x32: {  	s10 =	sld [smem:$0x3FB8];
	_ =	sdelay $0x3  }
0x33: {  	p0 =	seq.s32 s10, $0x1;
	s10 =	sld [smem:$0x3FBA];
	_ =	sdelay $0x3  }
0x34: {  	[smem:$0x3FBA] =	sst s10  }
0x35: {  	s10 =	sld [smem:$0x3FB9];
	_ =	sdelay $0x3  }
0x36: {  	p1 =	seq.s32 s10, $0x1;
	s10 =	sld [smem:$0x3FBA];
	_ =	sdelay $0x3  }
0x37: {  	[smem:$0x3FBA] =	sst s10  }
0x38: {  	s10 =	sld [smem:$0x3FBB]  }
0x39: {  	_ = 	snop;
	(pc) =	sbr.ind lr, $3  }
0x3a: {  	_ = 	snop  }
0x3b: {  	_ = 	snop  }
0x3c: {  	p2 =	seq.s32 s10, $0x1;
	s10 =	sld [smem:$0x3FBA]  }
0x3d: {  	_ =	shalt  }
0x3e: {  	_ =	shalt  }
0x3f: {  	_ =	shalt  }
0x40: {  	_ =	shalt  }
0x41: {  	_ =	shalt  }
0x42: {  	_ =	shalt  }
0x43: {  	_ =	shalt  }
0x44: {  	_ =	shalt  }
0x45: {  	_ =	shalt  }
0x46: {  	_ =	shalt  }
0x47: {  	_ =	shalt  }
0x48: {  	_ =	shalt  }
0x49: {  	_ =	shalt  }
0x4a: {  	_ =	shalt  }
0x4b: {  	_ =	shalt  }
0x4c: {  	_ =	shalt  }
0x4d: {  	_ =	shalt  }
0x4e: {  	_ =	shalt  }
0x4f: {  	_ =	shalt  }
0x50: {  	_ =	shalt  }
0x51: {  	_ =	shalt  }
0x52: {  	_ =	shalt  }
0x53: {  	_ =	shalt  }
0x54: {  	_ =	shalt  }
0x55: {  	_ =	shalt  }
0x56: {  	_ =	shalt  }
0x57: {  	_ =	shalt  }
0x58: {  	_ =	shalt  }
0x59: {  	_ =	shalt  }
0x5a: {  	_ =	shalt  }
0x5b: {  	_ =	shalt  }
0x5c: {  	_ =	shalt  }
0x5d: {  	_ =	shalt  }
0x5e: {  	_ =	shalt  }
0x5f: {  	_ =	shalt  }
0x60: {  	_ =	shalt  }
0x61: {  	_ =	shalt  }
0x62: {  	_ =	shalt  }
0x63: {  	_ =	shalt  }
0x64: {  	_ =	shalt  }
0x65: {  	_ =	shalt  }
0x66: {  	_ =	shalt  }
0x67: {  	_ =	shalt  }
0x68: {  	_ =	shalt  }
0x69: {  	_ =	shalt  }
0x6a: {  	_ =	shalt  }
0x6b: {  	_ =	shalt  }
0x6c: {  	_ =	shalt  }
0x6d: {  	_ =	shalt  }
0x6e: {  	_ =	shalt  }
0x6f: {  	_ =	shalt  }
0x70: {  	_ =	shalt  }
0x71: {  	_ =	shalt  }
0x72: {  	_ =	shalt  }
0x73: {  	_ =	shalt  }
0x74: {  	_ =	shalt  }
0x75: {  	_ =	shalt  }
0x76: {  	_ =	shalt  }
0x77: {  	_ =	shalt  }
0x78: {  	_ =	shalt  }
0x79: {  	_ =	shalt  }
0x7a: {  	_ =	shalt  }
0x7b: {  	_ =	shalt  }
0x7c: {  	_ =	shalt  }
0x7d: {  	_ =	shalt  }
0x7e: {  	_ =	shalt  }
0x7f: {  	_ =	shalt  }
0x80: {  	_ =	shalt  }
0x81: {  	_ =	shalt  }
0x82: {  	_ =	shalt  }
0x83: {  	_ =	shalt  }
0x84: {  	_ =	shalt  }
0x85: {  	_ =	shalt  }
0x86: {  	_ =	shalt  }
0x87: {  	_ =	shalt  }
.Lfunc_end0:
.L_simem_size_0:
called_computation_lowered:
.L_overlay_start_0:
0x88: {  	s2 =	sld [smem:$0x3FD9]  }
0x89: {  	s3 =	sld [smem:$0x3FFE];
	_ =	sdelay $0x1  }
0x8a: {  	s1 =	srdreg.scid  }
0x8b: {  	s0 =	sand.u32 $0x1, s1  }
0x8c: {  	s16 =	sshll.u32 s0, $0xA;
	s2 =	sadd.s32 s3, s2  }
0x8d: {  	s2 =	sadd.s32 s2, s16  }
0x8e: {  	[smem:$0x3FC6] =	sst s2  }
0x8f: {  	_ = 	snop  }
0x90: {  	(tm) =	ssettm $0x1  }
0x91: {  	s17 =	sld [smem:$0x3FFB];
	_ =	sdelay $0x3  }
0x92: {  	_ =	strace s17  }
0x93: {  	s2 =	sld [smem:$0x3FFC];
	_ =	sdelay $0x3  }
0x94: {  	_ =	strace s2  }
0x95: {  	s2 =	sld [smem:$0x3FFD];
	_ =	sdelay $0x3  }
0x96: {  	_ =	strace s2  }
0x97: {  	_ =	strace $0x8FFFFFFF  }
0x98: {  	s18 =	sld [smem:$0x3FDB];
	_ =	sdelay $0x1  }
0x99: {  	s19 =	simm.s32 $_scs_section_size  }
0x9a: {  	s4 =	simm.s32 $_size__tile_overlayer_lowered;
	s5 =	simm.s32 $_tile_overlayer_lowered  }
0x9b: {  	s22 =	simm.s32 $0x1BFF;
	s21 =	sshll.u32 s5, $0x1;
	s2 =	sadd.s32 s19, s18  }
0x9c: {  	s6 =	simm.s32 $0x0;
	s20 =	sshll.u32 s4, $0x1;
	s4 =	sadd.s32 s21, s2  }
0x9d: {  	[timem:s6], [sflag:s22] =	dma.local [hbm:s4], s20  }
0x9e: {  	_ =	swait.ge [sflag:s22], s20  }
0x9f: {  	s3 =	ssub.s32 $0x0, s20;
	[sflag:s22] =	ssyncset.done $0x0  }
0xa0: {  	[sflag:s22] =	ssyncadd.s32 s3;
	_ =	sdelay $0x1  }
0xa1: {  	s23 =	simm.s32 $0x1B8B  }
0xa2: {  	_ =	swait.ge [sflag:s23], $0x1  }
0xa3: {  	[sflag:s23] =	ssyncset.done $0x0  }
0xa4: {  	s25 =	simm.s32 $0x1B8E;
	s24 =	sld [smem:$0x3FFE];
	[sflag:s23] =	ssyncadd.s32 $0xFFFFFFFF  }
0xa5: {  	s26 =	simm.s32 $execute0_lowered;
	[smem:$0x3FD2] =	sst s25  }
0xa6: {  	s4 =	sshll.u32 s26, $0x1;
	_ =	strace $0x80000046;
	[dreg:$0x1] =	wrdreg $0xFFFFFFFF  }
0xa7: {  	s28 =	simm.s32 $_size_execute0_lowered;
	s2 =	sadd.s32 s2, s4;
	[dreg:$0x0] =	wrdreg $0x0  }
0xa8: {  	s4 =	sshll.u32 s28, $0x1;
	[dreg:$0x2] =	wrdreg s2  }
0xa9: {  	[dreg:$0x3] =	wrdreg s4  }
0xaa: {  	[dreg:$0x4] =	wrdreg $0xC0  }
0xab: {  	_ =	task [dreg:s6], $0x5FFFF  }
0xac: {  	[dreg:$0x1] =	wrdreg $0xFFFFFFFF  }
0xad: {  	[dreg:$0x0] =	wrdreg $0x60  }
0xae: {  	[dreg:$0x2] =	wrdreg s24  }
0xaf: {  	[dreg:$0x3] =	wrdreg $0x9  }
0xb0: {  	_ =	task.clear_ibuf [dreg:s6], $0x4FFFF;
	_ =	strace $0x90000046  }
0xb1: {  	s29 =	simm.s32 $0x9;
	_ =	strace $0x80000048  }
0xb2: {  	_ =	swait.ge [sflag:s29], $0x1  }
0xb3: {  	[sflag:s29] =	ssyncadd.s32 $0xFFFFFFFF  }
0xb4: {  	_ =	strace $0x90000048  }
0xb5: {  	_ =	sfence  }
0xb6: {  	s30 =	sld [smem:$0x0];
	_ =	sdelay $0x2  }
0xb7: {  	s31 =	sshll.u32 s1, $0xD;
	s1 =	sshrl.u32 s1, $0x2  }
0xb8: {  	s3 =	sand.u32 $0x4000, s31;
	s1 =	sadd.s32 s1, s30  }
0xb9: {  	s0 =	sor.u32 s3, s0;
	s1 =	sshll.u32 s1, $0x11  }
0xba: {  	s0 =	sor.u32 s1, s0  }
0xbb: {  	s0 =	sadd.s32 $0x8F2B, s0  }
0xbc: {  	[sflag:s0] =	ssyncadd.remote.s32 $0x1  }
0xbd: {  	_ =	sfence.sel $0xFFFF  }
0xbe: {  	[dreg:$0x0] =	wrdreg $0xFFFFFFFF;
	(pc) =	sbr.abs _section_cstart, $3  }
0xbf: {  	[dreg:$0x1] =	wrdreg $0xFFFFFFFF  }
0xc0: {  	_ =	task.clear_ibuf [dreg:s6], $0x2FFFF;
	_ =	strace $0x9FFFFFFF  }
0xc1: {  	(tm) =	ssettm $0x7FFFFFFF  }
tec
execute0_lowered:
.L_overlay_start_1:
0x0: {  	(tag) =	ssettag $0x1  }
0x1: {  	s1 =	srdreg.scid  }
0x2: {  	s0 =	stileid.u32;
	s2 =	rddreg [dreg:$0x0]  }
0x3: {  	s9 =	simm.s32 $0x2800;
	s10 =	simm.s32 $0x140;
	s11 =	simm.s32 $0x5000  }
0x4: {  	s12 =	simm.s32 $0xA000;
	s13 =	simm.s32 $0xF000;
	s14 =	simm.s32 $0x14000  }
0x5: {  	s15 =	simm.s32 $0x1;
	s4 =	sand.u32 $0x1, s1;
	s3 =	sshll.u32 s0, $0x1  }
0x6: {  	s16 =	simm.s32 $0x2;
	s17 =	simm.s32 $0x19000;
	s5 =	sor.u32 s4, s3  }
0x7: {  	s1 =	rddreg [dreg:$0x1];
	s3 =	simm.s32 $0x0;
	s5 =	smul.u32 $0x500, s5  }
0x8: {  	s18 =	simm.s32 $0x0;
	s4 =	ssub.s32 $0x2, s4;
	[smem:$0x7FF] =	sst s3  }
0x9: {  	s6 =	sshrl.u32 s4, $0x1;
	_ =	strace $0x80000047;
	s7 =	sadd.s32 s5, s2  }
0xa: {  	v0 =	vlaneseq.u32;
	s8 =	ssub.s32 s4, s6;
	s4 =	sadd.s32 $0x13A00, s7;
	s5 =	sadd.s32 $0x1DA00, s7  }
0xb: {  	v1 =	vmul.u32 $0x40, v0;
	s6 =	sadd.s32 $0x27A00, s7;
	s7 =	smax.u32 s8, $0x1;
	s8 =	simm.s32 $0x3  }
.LBB2_1:
0xc: {  	[tilespmem:s3], [sflag:$0x3] =	stream.linear.gather [hbm4b:s4+s3], $0x2800, $0x38;
	[tilespmem:$0x1B800] =	vst v63  }
0xd: {  	_ =	swait.ge [sflag:s8], $0x2800  }
0xe: {  	[sflag:s8] =	ssyncset.done $0x0  }
0xf: {  	[sflag:s8] =	ssyncadd.s32 $0xFFFFD800  }
0x10: {  	[tilespmem:s9], [sflag:$0x3] =	stream.linear.gather [hbm4b:s5+s3], $0x2800, $0x38;
	[tilespmem:$0x1B800] =	vst v63  }
0x11: {  	_ =	swait.ge [sflag:s8], $0x2800  }
0x12: {  	[sflag:s8] =	ssyncset.done $0x0  }
0x13: {  	[sflag:s8] =	ssyncadd.s32 $0xFFFFD800  }
0x14: {  	[tilespmem:s11], [sflag:$0x1] =	stream.indirect.gather [hbm4b:s2+s10], $0x40, s3, s10, $0xb8;
	[tilespmem:$0x1B800] =	vst v63  }
0x15: {  	s19 =	simm.s32 $0x0  }
0x16: {  	[tilespmem:s12], [sflag:$0x1] =	stream.indirect.gather [hbm4b:s2+s10], $0x40, s9, s10, $0xb8;
	[tilespmem:$0x1B800] =	vst v63  }
.LBB2_2:
0x17: {  	s21 =	smul.u32 $0x280, s19;
	_ =	sdelay $0x1  }
0x18: {  	s20 =	sadd.s32 $0x140, s21  }
0x19: {  	[tilespmem:s13], [sflag:$0x2] =	stream.indirect.gather [hbm4b:s2+s10], $0x40, s20, s10, $0xb8;
	[tilespmem:$0x1B800] =	vst v63  }
0x1a: {  	s22 =	sadd.s32 $0x2940, s21  }
0x1b: {  	[tilespmem:s14], [sflag:$0x2] =	stream.indirect.gather [hbm4b:s2+s10], $0x40, s22, s10, $0xb8;
	[tilespmem:$0x1B800] =	vst v63  }
0x1c: {  	_ =	swait.ge [sflag:s15], $0x5000  }
0x1d: {  	[sflag:s15] =	ssyncset.done $0x0  }
0x1e: {  	[sflag:s15] =	ssyncadd.s32 $0xFFFFB000  }
0x1f: {  	_ =	swait.ge [sflag:s15], $0x5000  }
0x20: {  	s23 =	sadd.s32 $0x19000, s21;
	[sflag:s15] =	ssyncset.done $0x0  }
0x21: {  	v2 =	vmov s23;
	s23 =	simm.s32 $0x0;
	s22 =	simm.s32 $0x0;
	[sflag:s15] =	ssyncadd.s32 $0xFFFFB000  }
.LBB2_3:
0x22: {  	s24 =	sshll.u32 s23, $0x6  }
0x23: {  	v3 =	vmov s24  }
0x24: {  	v4 =	vadd.s32 s22, v0;
	s25 =	sor.u32 $0x20, s24;
	v3 =	vshll.u32 v3, $0x6  }
0x25: {  	v7 =	vand.u32 $0x3F, v4;
	v5 =	vmov s25;
	v3 =	vor.u32 v1, v3  }
0x26: {  	s28 =	sor.u32 $0x30, s24;
	v4 =	vshll.u32 v5, $0x6;
	v8 =	vor.u32 v3, v7  }
0x27: {  	s29 =	simm.s32 $0x1;
	v6 =	vmov s28;
	v4 =	vor.u32 v1, v4  }
0x28: {  	v10 =	vadd.s32 s29, v0;
	v6 =	vshll.u32 v6, $0x6;
	v9 =	vor.u32 v4, v7  }
0x29: {  	v10 =	vand.u32 $0x3F, v10;
	v6 =	vor.u32 v1, v6  }
0x2a: {  	s26 =	sor.u32 $0x10, s24;
	v13 =	vor.u32 v6, v10  }
0x2b: {  	v5 =	vmov s26;
	v14 =	vor.u32 v3, v10;
	v12 =	vld.idx.msk [tilespmem:v8+s12+$0x0], $0xffff  }
0x2c: {  	v5 =	vshll.u32 v5, $0x6;
	v15 =	vor.u32 v4, v10;
	v8 =	vld.idx.msk [tilespmem:v8+s11+$0x0], $0xffff  }
0x2d: {  	v5 =	vor.u32 v1, v5;
	v16 =	vld.idx.msk [tilespmem:v9+s11+$0x0], $0xffff  }
0x2e: {  	v11 =	vor.u32 v5, v7;
	v17 =	vld.idx.msk [tilespmem:v9+s12+$0x0], $0xffff  }
0x2f: {  	v22 =	vld.idx.msk [tilespmem:v13+s12+$0x0], $0xffff  }
0x30: {  	v9 =	vor.u32 v5, v10;
	v10 =	vld.idx.msk [tilespmem:v14+s12+$0x0], $0xffff  }
0x31: {  	v7 =	vor.u32 v6, v7;
	v19 =	vld.idx.msk [tilespmem:v15+s11+$0x0], $0xffff  }
0x32: {  	v23 =	vld.idx.msk [tilespmem:v13+s11+$0x0], $0xffff  }
0x33: {  	s30 =	simm.s32 $0x2;
	v20 =	vld.idx.msk [tilespmem:v11+s12+$0x0], $0xffff  }
0x34: {  	v21 =	vld.idx.msk [tilespmem:v11+s11+$0x0], $0xffff;
	v11 =	vadd.s32 s30, v0  }
0x35: {  	v28 =	vld.idx.msk [tilespmem:v15+s12+$0x0], $0xffff;
	v24 =	vand.u32 $0x3F, v11  }
0x36: {  	v25 =	vld.idx.msk [tilespmem:v7+s11+$0x0], $0xffff;
	v26 =	vor.u32 v3, v24  }
0x37: {  	v11 =	vld.idx.msk [tilespmem:v14+s11+$0x0], $0xffff  }
0x38: {  	s31 =	simm.s32 $0x3;
	v31 =	vld.idx.msk [tilespmem:v7+s12+$0x0], $0xffff;
	v14 =	vor.u32 v4, v24  }
0x39: {  	v13 =	vadd.s32 s31, v0;
	v30 =	vor.u32 v5, v24;
	v27 =	vld.idx.msk [tilespmem:v9+s12+$0x0], $0xffff  }
0x3a: {  	v32 =	vand.u32 $0x3F, v13;
	v29 =	vld.idx.msk [tilespmem:v9+s11+$0x0], $0xffff  }
0x3b: {  	v13 =	vor.u32 v3, v32;
	v8 =	vmul.bf16 v12, v8;
	v16 =	vmul.bf16 v17, v16;
	v7 =	vld.idx.msk [tilespmem:v26+s12+$0x0], $0xffff  }
0x3c: {  	v18 =	vor.u32 v6, v32;
	v17 =	vmul.bf16 v28, v19;
	v10 =	vmul.bf16 v10, v11;
	v12 =	vld.idx.msk [tilespmem:v26+s11+$0x0], $0xffff  }
0x3d: {  	v9 =	vimm.f32 $0.0e+00;
	v19 =	vor.u32 v4, v32;
	v22 =	vmul.bf16 v22, v23;
	v15 =	vld.idx.msk [tilespmem:v14+s11+$0x0], $0xffff  }
0x3e: {  	v20 =	vmul.bf16 v20, v21;
	v16 =	vadd.bf16 v17, v16;
	v17 =	vld.idx.msk [tilespmem:v30+s11+$0x0], $0xffff;
	v26 =	vadd.bf16 v10, v8  }
0x3f: {  	v25 =	vmul.bf16 v31, v25;
	v10 =	vor.u32 v6, v24;
	v8 =	vld.idx.msk [tilespmem:v14+s12+$0x0], $0xffff;
	v24 =	vmul.bf16 v27, v29  }
0x40: {  	v11 =	vor.u32 v5, v32;
	v14 =	vld.idx.msk [tilespmem:v30+s12+$0x0], $0xffff;
	v30 =	vunpack.i.l.bf16.f32 v16;
	v21 =	vunpack.i.l.bf16.f32 v26  }
0x41: {  	v23 =	vld.idx.msk [tilespmem:v13+s12+$0x0], $0xffff;
	v29 =	vunpack.i.u.bf16.f32 v26;
	v28 =	vadd.f32 v21, v9;
	v27 =	vadd.bf16 v24, v20  }
0x42: {  	v26 =	vadd.bf16 v22, v25;
	v25 =	vadd.f32 v30, v9;
	v22 =	vimm.f32 $0.0e+00;
	v21 =	vld.idx.msk [tilespmem:v18+s12+$0x0], $0xffff  }
0x43: {  	s25 =	simm.s32 $0x4;
	v24 =	vunpack.i.u.bf16.f32 v16;
	v20 =	vld.idx.msk [tilespmem:v19+s11+$0x0], $0xffff;
	v16 =	vadd.f32 v28, v29;
	v28 =	vunpack.i.l.bf16.f32 v27  }
.LBB2_4:
0x44: {  	v29 =	vadd.s32 s25, v0;
	s26 =	sadd.s32 $0x1, s25;
	p0 =	sne.s32 s25, $0x3E;
	s25 =	sadd.s32 $0x2, s25;
	v30 =	vld.idx.msk [tilespmem:v18+s11+$0x0], $0xffff;
	v27 =	vunpack.i.u.bf16.f32 v27;
	v31 =	vunpack.i.l.bf16.f32 v26  }
0x45: {  	v26 =	vunpack.i.u.bf16.f32 v26;
	v18 =	vadd.s32 s26, v0;
	v29 =	vand.u32 $0x3F, v29;
	v32 =	vld.idx.msk [tilespmem:v10+s11+$0x0], $0xffff  }
0x46: {  	v9 =	vadd.f32 v28, v9;
	v33 =	vor.u32 v3, v29;
	v34 =	vand.u32 $0x3F, v18;
	v35 =	vld.idx.msk [tilespmem:v13+s11+$0x0], $0xffff  }
0x47: {  	v22 =	vadd.f32 v31, v22;
	v13 =	vor.u32 v3, v34;
	v18 =	vor.u32 v6, v34;
	v28 =	vld.idx.msk [tilespmem:v11+s12+$0x0], $0xffff  }
0x48: {  	v31 =	vor.u32 v5, v29;
	v36 =	vor.u32 v4, v29;
	v9 =	vadd.f32 v9, v27;
	v37 =	vld.idx.msk [tilespmem:v19+s12+$0x0], $0xffff  }
0x49: {  	v25 =	vadd.f32 v25, v24;
	v22 =	vadd.f32 v22, v26;
	v27 =	vld.idx.msk [tilespmem:v11+s11+$0x0], $0xffff;
	v11 =	vor.u32 v5, v34  }
0x4a: {  	v24 =	vmul.bf16 v7, v12;
	v26 =	vld.idx.msk [tilespmem:v10+s12+$0x0], $0xffff;
	v10 =	vor.u32 v6, v29;
	v29 =	vmul.bf16 v21, v30  }
0x4b: {  	v19 =	vor.u32 v4, v34;
	v30 =	vmul.bf16 v14, v17;
	v7 =	vld.idx.msk [tilespmem:v33+s12+$0x0], $0xffff  }
0x4c: {  	v14 =	vmul.bf16 v23, v35;
	v12 =	vld.idx.msk [tilespmem:v33+s11+$0x0], $0xffff  }
0x4d: {  	v33 =	vld.idx.msk [tilespmem:v36+s11+$0x0], $0xffff  }
0x4e: {  	v15 =	vmul.bf16 v8, v15;
	v23 =	vadd.bf16 v14, v24;
	v20 =	vmul.bf16 v37, v20;
	v8 =	vld.idx.msk [tilespmem:v36+s12+$0x0], $0xffff  }
.Ltmp0:
0x4f: {  	v24 =	vmul.bf16 v28, v27;
	v14 =	vld.idx.msk [tilespmem:v31+s12+$0x0], $0xffff;
	(pc) =	sbr.rel @p0 .LBB2_4-.Ltmp0, $4  }
0x50: {  	v27 =	vunpack.i.l.bf16.f32 v23;
	v17 =	vld.idx.msk [tilespmem:v31+s11+$0x0], $0xffff;
	v31 =	vadd.bf16 v20, v15;
	v20 =	vmul.bf16 v26, v32  }
0x51: {  	v28 =	vunpack.i.u.bf16.f32 v23;
	v16 =	vadd.f32 v27, v16;
	v27 =	vadd.bf16 v24, v30;
	v21 =	vld.idx.msk [tilespmem:v18+s12+$0x0], $0xffff  }
0x52: {  	v23 =	vld.idx.msk [tilespmem:v13+s12+$0x0], $0xffff;
	v24 =	vunpack.i.u.bf16.f32 v31;
	v30 =	vunpack.i.l.bf16.f32 v31;
	v26 =	vadd.bf16 v29, v20  }
0x53: {  	v16 =	vadd.f32 v16, v28;
	v28 =	vunpack.i.l.bf16.f32 v27;
	v15 =	vmovc v33;
	v20 =	vld.idx.msk [tilespmem:v19+s11+$0x0], $0xffff;
	v25 =	vadd.f32 v30, v25  }
0x54: {  	_ =	sdelay $0x3  }
0x55: {  	v3 =	vld.idx.msk [tilespmem:v18+s11+$0x0], $0xffff  }
0x56: {  	v4 =	vld.idx.msk [tilespmem:v10+s11+$0x0], $0xffff  }
0x57: {  	v5 =	vld.idx.msk [tilespmem:v13+s11+$0x0], $0xffff  }
0x58: {  	v6 =	vld.idx.msk [tilespmem:v11+s12+$0x0], $0xffff  }
0x59: {  	v48 =	vld.idx.msk [tilespmem:v11+s11+$0x0], $0xffff  }
0x5a: {  	v50 =	vld.idx.msk [tilespmem:v19+s12+$0x0], $0xffff  }
0x5b: {  	v49 =	vunpack.i.u.bf16.f32 v27;
	v53 =	vld.idx.msk [tilespmem:v10+s12+$0x0], $0xffff  }
0x5c: {  	v9 =	vadd.f32 v28, v9;
	v51 =	vunpack.i.l.bf16.f32 v26;
	v52 =	vunpack.i.u.bf16.f32 v26  }
0x5d: {  	v7 =	vmul.bf16 v7, v12;
	v8 =	vmul.bf16 v8, v15;
	v19 =	vadd.f32 v51, v22  }
0x5e: {  	v54 =	vadd.f32 v25, v24;
	v55 =	vmul.bf16 v14, v17;
	v5 =	vmul.bf16 v23, v5  }
0x5f: {  	v9 =	vadd.f32 v9, v49;
	v3 =	vmul.bf16 v21, v3;
	v6 =	vmul.bf16 v6, v48  }
0x60: {  	v57 =	vmul.bf16 v50, v20;
	v4 =	vmul.bf16 v53, v4;
	v5 =	vadd.bf16 v5, v7  }
0x61: {  	v56 =	vadd.f32 v19, v52;
	v6 =	vadd.bf16 v6, v55  }
0x62: {  	v8 =	vadd.bf16 v57, v8;
	v3 =	vadd.bf16 v3, v4;
	v58 =	vunpack.i.l.bf16.f32 v5  }
0x63: {  	v5 =	vunpack.i.u.bf16.f32 v5;
	v60 =	vunpack.i.l.bf16.f32 v6;
	v59 =	vadd.f32 v58, v16  }
0x64: {  	s23 =	sadd.s32 $0x1, s23;
	v11 =	vunpack.i.l.bf16.f32 v8;
	v6 =	vunpack.i.u.bf16.f32 v6;
	v4 =	vadd.f32 v60, v9  }
0x65: {  	p0 =	sne.s32 s23, $0x5;
	v62 =	vunpack.i.l.bf16.f32 v3;
	v61 =	vadd.f32 v11, v54;
	v5 =	vadd.f32 v59, v5  }
.Ltmp1:
0x66: {  	v8 =	vunpack.i.u.bf16.f32 v8;
	v7 =	vadd.f32 v62, v56;
	v4 =	vadd.f32 v4, v6;
	(pc) =	sbr.rel @p0 .LBB2_3-.Ltmp1, $4  }
0x67: {  	v3 =	vunpack.i.u.bf16.f32 v3;
	v63 =	vadd.f32 v61, v8;
	[tilespmem:v2+s24+$0x0 ss:$0x1] =	vst.idx.msk $0xffff, v5  }
0x68: {  	v3 =	vadd.f32 v7, v3;
	[tilespmem:v2+s24+$0x10 ss:$0x1] =	vst.idx.msk $0xffff, v4  }
0x69: {  	[tilespmem:v2+s24+$0x20 ss:$0x1] =	vst.idx.msk $0xffff, v63  }
0x6a: {  	[tilespmem:v2+s24+$0x30 ss:$0x1] =	vst.idx.msk $0xffff, v3  }
0x6b: {  	p0 =	seq.s32 s19, $0xF  }
0x6c: {  	s22 =	sadd.s32 @!p0 $0x280, s21;
	s23 =	simm.s32 @!p0 $0x140;
	s24 =	simm.s32 @!p0 $0x5000  }
0x6d: {  	[tilespmem:s24], [sflag:$0x1] =	stream.indirect.gather @!p0 [hbm4b:s2+s23], $0x40, s22, s23, $0xb8;
	[tilespmem:$0x1B800] =	vst v63  }
0x6e: {  	s21 =	sadd.s32 @!p0 $0x2A80, s21;
	s22 =	simm.s32 @!p0 $0xA000  }
0x6f: {  	[tilespmem:s22], [sflag:$0x1] =	stream.indirect.gather @!p0 [hbm4b:s2+s23], $0x40, s21, s23, $0xb8;
	[tilespmem:$0x1B800] =	vst v63  }
0x70: {  	_ =	swait.ge [sflag:s16], $0x5000  }
0x71: {  	[sflag:s16] =	ssyncset.done $0x0  }
0x72: {  	[sflag:s16] =	ssyncadd.s32 $0xFFFFB000  }
0x73: {  	_ =	swait.ge [sflag:s16], $0x5000  }
0x74: {  	s31 =	sadd.s32 $0x19000, s20;
	[sflag:s16] =	ssyncset.done $0x0  }
0x75: {  	s20 =	simm.s32 $0x0;
	v2 =	vmov s31;
	s21 =	simm.s32 $0x0;
	[sflag:s16] =	ssyncadd.s32 $0xFFFFB000  }
.LBB2_7:
0x76: {  	s22 =	sshll.u32 s21, $0x6  }
0x77: {  	v3 =	vmov s22  }
0x78: {  	v4 =	vadd.s32 s20, v0;
	s23 =	sor.u32 $0x20, s22;
	v3 =	vshll.u32 v3, $0x6  }
0x79: {  	v7 =	vand.u32 $0x3F, v4;
	v5 =	vmov s23;
	v3 =	vor.u32 v1, v3  }
0x7a: {  	s28 =	sor.u32 $0x30, s22;
	v4 =	vshll.u32 v5, $0x6;
	v8 =	vor.u32 v3, v7  }
0x7b: {  	s29 =	simm.s32 $0x1;
	v6 =	vmov s28;
	v4 =	vor.u32 v1, v4  }
0x7c: {  	v10 =	vadd.s32 s29, v0;
	v6 =	vshll.u32 v6, $0x6;
	v9 =	vor.u32 v4, v7  }
0x7d: {  	v10 =	vand.u32 $0x3F, v10;
	v6 =	vor.u32 v1, v6  }
0x7e: {  	s26 =	sor.u32 $0x10, s22;
	v13 =	vor.u32 v6, v10  }
0x7f: {  	v5 =	vmov s26;
	v14 =	vor.u32 v3, v10;
	v12 =	vld.idx.msk [tilespmem:v8+s14+$0x0], $0xffff  }
0x80: {  	v5 =	vshll.u32 v5, $0x6;
	v15 =	vor.u32 v4, v10;
	v8 =	vld.idx.msk [tilespmem:v8+s13+$0x0], $0xffff  }
0x81: {  	v5 =	vor.u32 v1, v5;
	v16 =	vld.idx.msk [tilespmem:v9+s13+$0x0], $0xffff  }
0x82: {  	v11 =	vor.u32 v5, v7;
	v17 =	vld.idx.msk [tilespmem:v9+s14+$0x0], $0xffff  }
0x83: {  	v22 =	vld.idx.msk [tilespmem:v13+s14+$0x0], $0xffff  }
0x84: {  	v9 =	vor.u32 v5, v10;
	v10 =	vld.idx.msk [tilespmem:v14+s14+$0x0], $0xffff  }
0x85: {  	v7 =	vor.u32 v6, v7;
	v19 =	vld.idx.msk [tilespmem:v15+s13+$0x0], $0xffff  }
0x86: {  	v23 =	vld.idx.msk [tilespmem:v13+s13+$0x0], $0xffff  }
0x87: {  	s30 =	simm.s32 $0x2;
	v20 =	vld.idx.msk [tilespmem:v11+s14+$0x0], $0xffff  }
0x88: {  	v21 =	vld.idx.msk [tilespmem:v11+s13+$0x0], $0xffff;
	v11 =	vadd.s32 s30, v0  }
0x89: {  	v28 =	vld.idx.msk [tilespmem:v15+s14+$0x0], $0xffff;
	v24 =	vand.u32 $0x3F, v11  }
0x8a: {  	v25 =	vld.idx.msk [tilespmem:v7+s13+$0x0], $0xffff;
	v26 =	vor.u32 v3, v24  }
0x8b: {  	v11 =	vld.idx.msk [tilespmem:v14+s13+$0x0], $0xffff  }
0x8c: {  	s31 =	simm.s32 $0x3;
	v31 =	vld.idx.msk [tilespmem:v7+s14+$0x0], $0xffff;
	v14 =	vor.u32 v4, v24  }
0x8d: {  	v13 =	vadd.s32 s31, v0;
	v30 =	vor.u32 v5, v24;
	v27 =	vld.idx.msk [tilespmem:v9+s14+$0x0], $0xffff  }
0x8e: {  	v32 =	vand.u32 $0x3F, v13;
	v29 =	vld.idx.msk [tilespmem:v9+s13+$0x0], $0xffff  }
0x8f: {  	v13 =	vor.u32 v3, v32;
	v8 =	vmul.bf16 v12, v8;
	v16 =	vmul.bf16 v17, v16;
	v7 =	vld.idx.msk [tilespmem:v26+s14+$0x0], $0xffff  }
0x90: {  	v18 =	vor.u32 v6, v32;
	v17 =	vmul.bf16 v28, v19;
	v10 =	vmul.bf16 v10, v11;
	v12 =	vld.idx.msk [tilespmem:v26+s13+$0x0], $0xffff  }
0x91: {  	v9 =	vimm.f32 $0.0e+00;
	v19 =	vor.u32 v4, v32;
	v22 =	vmul.bf16 v22, v23;
	v15 =	vld.idx.msk [tilespmem:v14+s13+$0x0], $0xffff  }
0x92: {  	v20 =	vmul.bf16 v20, v21;
	v16 =	vadd.bf16 v17, v16;
	v17 =	vld.idx.msk [tilespmem:v30+s13+$0x0], $0xffff;
	v26 =	vadd.bf16 v10, v8  }
0x93: {  	v25 =	vmul.bf16 v31, v25;
	v10 =	vor.u32 v6, v24;
	v8 =	vld.idx.msk [tilespmem:v14+s14+$0x0], $0xffff;
	v24 =	vmul.bf16 v27, v29  }
0x94: {  	v11 =	vor.u32 v5, v32;
	v14 =	vld.idx.msk [tilespmem:v30+s14+$0x0], $0xffff;
	v30 =	vunpack.i.l.bf16.f32 v16;
	v21 =	vunpack.i.l.bf16.f32 v26  }
0x95: {  	v23 =	vld.idx.msk [tilespmem:v13+s14+$0x0], $0xffff;
	v29 =	vunpack.i.u.bf16.f32 v26;
	v28 =	vadd.f32 v21, v9;
	v27 =	vadd.bf16 v24, v20  }
0x96: {  	v26 =	vadd.bf16 v22, v25;
	v25 =	vadd.f32 v30, v9;
	v22 =	vimm.f32 $0.0e+00;
	v21 =	vld.idx.msk [tilespmem:v18+s14+$0x0], $0xffff  }
0x97: {  	s23 =	simm.s32 $0x4;
	v24 =	vunpack.i.u.bf16.f32 v16;
	v20 =	vld.idx.msk [tilespmem:v19+s13+$0x0], $0xffff;
	v16 =	vadd.f32 v28, v29;
	v28 =	vunpack.i.l.bf16.f32 v27  }
.LBB2_8:
0x98: {  	v29 =	vadd.s32 s23, v0;
	s24 =	sadd.s32 $0x1, s23;
	p0 =	sne.s32 s23, $0x3E;
	s23 =	sadd.s32 $0x2, s23;
	v30 =	vld.idx.msk [tilespmem:v18+s13+$0x0], $0xffff;
	v27 =	vunpack.i.u.bf16.f32 v27;
	v31 =	vunpack.i.l.bf16.f32 v26  }
0x99: {  	v26 =	vunpack.i.u.bf16.f32 v26;
	v18 =	vadd.s32 s24, v0;
	v29 =	vand.u32 $0x3F, v29;
	v32 =	vld.idx.msk [tilespmem:v10+s13+$0x0], $0xffff  }
0x9a: {  	v9 =	vadd.f32 v28, v9;
	v33 =	vor.u32 v3, v29;
	v34 =	vand.u32 $0x3F, v18;
	v35 =	vld.idx.msk [tilespmem:v13+s13+$0x0], $0xffff  }
0x9b: {  	v22 =	vadd.f32 v31, v22;
	v13 =	vor.u32 v3, v34;
	v18 =	vor.u32 v6, v34;
	v28 =	vld.idx.msk [tilespmem:v11+s14+$0x0], $0xffff  }
0x9c: {  	v31 =	vor.u32 v5, v29;
	v36 =	vor.u32 v4, v29;
	v9 =	vadd.f32 v9, v27;
	v37 =	vld.idx.msk [tilespmem:v19+s14+$0x0], $0xffff  }
0x9d: {  	v25 =	vadd.f32 v25, v24;
	v22 =	vadd.f32 v22, v26;
	v27 =	vld.idx.msk [tilespmem:v11+s13+$0x0], $0xffff;
	v11 =	vor.u32 v5, v34  }
0x9e: {  	v24 =	vmul.bf16 v7, v12;
	v26 =	vld.idx.msk [tilespmem:v10+s14+$0x0], $0xffff;
	v10 =	vor.u32 v6, v29;
	v29 =	vmul.bf16 v21, v30  }
0x9f: {  	v19 =	vor.u32 v4, v34;
	v30 =	vmul.bf16 v14, v17;
	v7 =	vld.idx.msk [tilespmem:v33+s14+$0x0], $0xffff  }
0xa0: {  	v14 =	vmul.bf16 v23, v35;
	v12 =	vld.idx.msk [tilespmem:v33+s13+$0x0], $0xffff  }
0xa1: {  	v33 =	vld.idx.msk [tilespmem:v36+s13+$0x0], $0xffff  }
0xa2: {  	v15 =	vmul.bf16 v8, v15;
	v23 =	vadd.bf16 v14, v24;
	v20 =	vmul.bf16 v37, v20;
	v8 =	vld.idx.msk [tilespmem:v36+s14+$0x0], $0xffff  }
.Ltmp2:
0xa3: {  	v24 =	vmul.bf16 v28, v27;
	v14 =	vld.idx.msk [tilespmem:v31+s14+$0x0], $0xffff;
	(pc) =	sbr.rel @p0 .LBB2_8-.Ltmp2, $4  }
0xa4: {  	v27 =	vunpack.i.l.bf16.f32 v23;
	v17 =	vld.idx.msk [tilespmem:v31+s13+$0x0], $0xffff;
	v31 =	vadd.bf16 v20, v15;
	v20 =	vmul.bf16 v26, v32  }
0xa5: {  	v28 =	vunpack.i.u.bf16.f32 v23;
	v16 =	vadd.f32 v27, v16;
	v27 =	vadd.bf16 v24, v30;
	v21 =	vld.idx.msk [tilespmem:v18+s14+$0x0], $0xffff  }
0xa6: {  	v23 =	vld.idx.msk [tilespmem:v13+s14+$0x0], $0xffff;
	v24 =	vunpack.i.u.bf16.f32 v31;
	v30 =	vunpack.i.l.bf16.f32 v31;
	v26 =	vadd.bf16 v29, v20  }
0xa7: {  	v16 =	vadd.f32 v16, v28;
	v28 =	vunpack.i.l.bf16.f32 v27;
	v15 =	vmovc v33;
	v20 =	vld.idx.msk [tilespmem:v19+s13+$0x0], $0xffff;
	v25 =	vadd.f32 v30, v25  }
0xa8: {  	_ =	sdelay $0x3  }
0xa9: {  	v3 =	vld.idx.msk [tilespmem:v18+s13+$0x0], $0xffff  }
0xaa: {  	v4 =	vld.idx.msk [tilespmem:v10+s13+$0x0], $0xffff  }
0xab: {  	v5 =	vld.idx.msk [tilespmem:v13+s13+$0x0], $0xffff  }
0xac: {  	v6 =	vld.idx.msk [tilespmem:v11+s14+$0x0], $0xffff  }
0xad: {  	v48 =	vld.idx.msk [tilespmem:v11+s13+$0x0], $0xffff  }
0xae: {  	v50 =	vld.idx.msk [tilespmem:v19+s14+$0x0], $0xffff  }
0xaf: {  	v49 =	vunpack.i.u.bf16.f32 v27;
	v53 =	vld.idx.msk [tilespmem:v10+s14+$0x0], $0xffff  }
0xb0: {  	v9 =	vadd.f32 v28, v9;
	v51 =	vunpack.i.l.bf16.f32 v26;
	v52 =	vunpack.i.u.bf16.f32 v26  }
0xb1: {  	v7 =	vmul.bf16 v7, v12;
	v8 =	vmul.bf16 v8, v15;
	v19 =	vadd.f32 v51, v22  }
0xb2: {  	v54 =	vadd.f32 v25, v24;
	v55 =	vmul.bf16 v14, v17;
	v5 =	vmul.bf16 v23, v5  }
0xb3: {  	v9 =	vadd.f32 v9, v49;
	v3 =	vmul.bf16 v21, v3;
	v6 =	vmul.bf16 v6, v48  }
0xb4: {  	v57 =	vmul.bf16 v50, v20;
	v4 =	vmul.bf16 v53, v4;
	v5 =	vadd.bf16 v5, v7  }
0xb5: {  	v56 =	vadd.f32 v19, v52;
	v6 =	vadd.bf16 v6, v55  }
0xb6: {  	v8 =	vadd.bf16 v57, v8;
	v3 =	vadd.bf16 v3, v4;
	v58 =	vunpack.i.l.bf16.f32 v5  }
0xb7: {  	v5 =	vunpack.i.u.bf16.f32 v5;
	v60 =	vunpack.i.l.bf16.f32 v6;
	v59 =	vadd.f32 v58, v16  }
0xb8: {  	s21 =	sadd.s32 $0x1, s21;
	v11 =	vunpack.i.l.bf16.f32 v8;
	v6 =	vunpack.i.u.bf16.f32 v6;
	v4 =	vadd.f32 v60, v9  }
0xb9: {  	p0 =	sne.s32 s21, $0x5;
	v62 =	vunpack.i.l.bf16.f32 v3;
	v61 =	vadd.f32 v11, v54;
	v5 =	vadd.f32 v59, v5  }
.Ltmp3:
0xba: {  	v8 =	vunpack.i.u.bf16.f32 v8;
	v7 =	vadd.f32 v62, v56;
	v4 =	vadd.f32 v4, v6;
	(pc) =	sbr.rel @p0 .LBB2_7-.Ltmp3, $4  }
0xbb: {  	v3 =	vunpack.i.u.bf16.f32 v3;
	v63 =	vadd.f32 v61, v8;
	[tilespmem:v2+s22+$0x0 ss:$0x1] =	vst.idx.msk $0xffff, v5  }
0xbc: {  	v3 =	vadd.f32 v7, v3;
	[tilespmem:v2+s22+$0x10 ss:$0x1] =	vst.idx.msk $0xffff, v4  }
0xbd: {  	[tilespmem:v2+s22+$0x20 ss:$0x1] =	vst.idx.msk $0xffff, v63  }
0xbe: {  	[tilespmem:v2+s22+$0x30 ss:$0x1] =	vst.idx.msk $0xffff, v3  }
0xbf: {  	s19 =	sadd.s32 $0x1, s19  }
0xc0: {  	p0 =	sne.s32 s19, $0x10  }
.Ltmp4:
0xc1: {  	_ = 	snop;
	(pc) =	sbr.rel @p0 .LBB2_2-.Ltmp4, $1  }
0xc2: {  	_ =	sdelay $0x3  }
0xc3: {  	s18 =	sadd.s32 $0x1, s18  }
0xc4: {  	p0 =	sne.s32 s18, s7  }
.Ltmp5:
0xc5: {  	_ = 	snop;
	(pc) =	sbr.rel @p0 .LBB2_1-.Ltmp5, $4  }
0xc6: {  	[hbm4b:s6+s3] =	stream.linear.scatter [tilespmem:s17], [sflag:$0x3], $0x2800, $0x38;
	[tilespmem:$0x1B800] =	vst v63  }
0xc7: {  	_ =	swait.ge [sflag:s8], $0x2800  }
0xc8: {  	[sflag:s8] =	ssyncset.done $0x0  }
0xc9: {  	[sflag:s8] =	ssyncadd.s32 $0xFFFFD800  }
0xca: {  	_ =	sfence.sel $0x180000  }
0xcb: {  	[bflag:$0x0] =	sbarrier.arrive $0xFFFF  }
0xcc: {  	p0 =	sne.s32 s0, $0x0;
	_ =	strace $0x90000047  }
0xcd: {  	s0 =	sadd.s32 @!p0 $0x100000, s1;
	[bflag:$0x2] =	sbarrier.arrive $0xFFFF  }
0xce: {  	[sflag:s0] =	ssyncadd.tile.s32 @!p0 $0x1;
	_ =	shalt  }
.Lfunc_end2:
_tile_overlayer_lowered:
.L_overlay_start_2:
0xcf: {  	(tag) =	ssettag $0x2  }
0xd0: {  	s0 =	rddreg [dreg:$0x0];
	s2 =	stileid.u32  }
0xd1: {  	s1 =	rddreg [dreg:$0x1];
	p0 =	sne.s32 s2, $0x0  }
0xd2: {  	s3 =	rddreg [dreg:$0x2];
	[bflag:$0x3] =	sbarrier.arrive $0xFFFF;
	s2 =	simm.s32 @!p0 $0x1C03  }
0xd3: {  	[timem:s3], [sflag:s2] =	dma.local @!p0 [hbm:s0], s1  }
0xd4: {  	s0 =	simm.s32 @!p0 $0x3  }
0xd5: {  	_ =	swait.ge @!p0 [sflag:s0], s1  }
0xd6: {  	s1 =	ssub.s32 @!p0 $0x0, s1;
	[sflag:s0] =	ssyncset.done @!p0 $0x0  }
0xd7: {  	[sflag:s0] =	ssyncadd.s32 @!p0 s1  }
0xd8: {  	[bflag:$0x3] =	sbarrier.arrive $0xFFFF  }
0xd9: {  	_ =	shalt  }

</sc_bundles>
